<compile_context>
chip_gen: v7x
topology: tpu7x:2x2x1
jax: 0.10.2.dev20260603
libtpu: 0.0.44.dev20260713+nightly
codegen_flags: <defaults>
</compile_context>

<pallas_src>
import functools

import jax
import jax.numpy as jnp
from jax import lax
from jax.experimental import pallas as pl
from jax.experimental.pallas import tpu as pltpu
from jax.experimental.pallas import tpu_sc as plsc

_NUM_CORES = 2
_NUM_SUBCORES = 16
_LANES = 16
_NW = _NUM_CORES * _NUM_SUBCORES

_V = 32
_NDIM = 10
_W_ROW = _V
_PAR_ROW = _V + _NDIM
_PROWS = _PAR_ROW + 3
_EPS = 1e-12
_BETA = 3.0

_MAGIC = 0x5F3759DF


def _sqrt16(x):
    i = lax.bitcast_convert_type(x, jnp.int32)
    i = _MAGIC - lax.shift_right_logical(i, 1)
    y = lax.bitcast_convert_type(i, jnp.float32)
    half_x = 0.5 * x
    for _ in range(3):
        y = y * (1.5 - half_x * y * y)
    return x * y


def _make_sc_kernel(batch):
    bw = batch // _NW
    n_chunks = bw // _LANES
    tab_per_sub = (_V * _V) // _NUM_SUBCORES

    mesh = plsc.VectorSubcoreMesh(core_axis_name="c", subcore_axis_name="s")

    @functools.partial(
        pl.kernel,
        out_type=jax.ShapeDtypeStruct((batch,), jnp.float32),
        mesh=mesh,
        compiler_params=pltpu.CompilerParams(needs_layout_passes=False),
        scratch_types=[
            pltpu.VMEM((bw, 2), jnp.int32),
            pltpu.VMEM((_PROWS, _LANES), jnp.float32),
            pltpu.VMEM((tab_per_sub,), jnp.float32),
            pltpu.VMEM((_V * _V,), jnp.float32),
            pltpu.VMEM((bw,), jnp.float32),
            pltpu.VMEM_SHARED((_V * _V,), jnp.float32),
            pltpu.SemaphoreType.DMA,
            pltpu.SemaphoreType.DMA,
        ],
    )
    def k(idx_hbm, par_hbm, out_hbm,
          idx_v, par_v, stage_v, ptab_v, out_v, shared, sem_idx, sem_par):
        c = lax.axis_index("c")
        s = lax.axis_index("s")
        wid = s * _NUM_CORES + c
        base = wid * bw

        idx_cp = pltpu.async_copy(idx_hbm.at[pl.ds(base, bw)], idx_v, sem_idx)
        pltpu.async_copy(par_hbm, par_v, sem_par).wait()

        iota = lax.iota(jnp.int32, _LANES)
        zero_f = jnp.zeros((_LANES,), jnp.float32)

        tab_base = s * tab_per_sub
        wv = [par_v[_W_ROW + d] for d in range(_NDIM)]
        up = par_v[_PAR_ROW]
        mid = par_v[_PAR_ROW + 1]
        rt = par_v[_PAR_ROW + 2]
        for j in range(tab_per_sub // _LANES):
            flat = iota + (tab_base + j * _LANES)
            r0 = lax.shift_right_logical(flat, 5)
            r1 = lax.bitwise_and(flat, _V - 1)
            acc = zero_f
            for d in range(_NDIM):
                dcol = jnp.full((_LANES,), d, jnp.int32)
                a = plsc.load_gather(par_v, [r0, dcol])
                b = plsc.load_gather(par_v, [r1, dcol])
                diff = a - b
                acc = acc + wv[d] * (diff * diff)
            dist = _sqrt16(jnp.maximum(acc, _EPS))
            sim = jnp.exp(-_BETA * dist)
            yv = up / (1.0 + jnp.exp(-rt * (sim - mid)))
            stage_v[pl.ds(j * _LANES, _LANES)] = yv

        pltpu.sync_copy(stage_v, shared.at[pl.ds(tab_base, tab_per_sub)])
        plsc.subcore_barrier()
        pltpu.sync_copy(shared, ptab_v)

        idx_cp.wait()
        zero_i = jnp.zeros((_LANES,), jnp.int32)
        one_i = jnp.full((_LANES,), 1, jnp.int32)
        for blk in range(n_chunks):
            lid = iota + blk * _LANES
            i0 = plsc.load_gather(idx_v, [lid, zero_i])
            i1 = plsc.load_gather(idx_v, [lid, one_i])
            flat = lax.shift_left(i0, 5) + i1
            out_v[pl.ds(blk * _LANES, _LANES)] = plsc.load_gather(ptab_v, [flat])

        pltpu.sync_copy(out_v, out_hbm.at[pl.ds(base, bw)])

    return k


def kernel(rate2_stimulus_set, percept, w, upper, midpoint, rate):
    batch = rate2_stimulus_set.shape[0]
    idx = rate2_stimulus_set.astype(jnp.int32)
    par = jnp.zeros((_PROWS, _LANES), jnp.float32)
    par = par.at[: percept.shape[0], :_NDIM].set(percept.astype(jnp.float32))
    par = par.at[_W_ROW : _W_ROW + _NDIM, :].set(
        jnp.broadcast_to(w.astype(jnp.float32)[:, None], (_NDIM, _LANES))
    )
    par = par.at[_PAR_ROW, :].set(jnp.float32(upper))
    par = par.at[_PAR_ROW + 1, :].set(jnp.float32(midpoint))
    par = par.at[_PAR_ROW + 2, :].set(jnp.float32(rate))
    y = _make_sc_kernel(batch)(idx, par)
    return y[:, None]

# --- scband reference (transcript-rebuilt; emitter-appended) ---
"""Pipeline reference for scband-rate-model-a-39273180954758 (READ-ONLY COPY).

The authoritative reference and input builder live on the scoring server;
editing this copy changes nothing except your own understanding.
"""

import jax, jax.numpy as jnp
import numpy as np

N_STIMULI = 30
N_DIM = 10
BATCH = 16384
RHO = 2.0
BETA = 3.0
TAU = 1.0
GAMMA = 0.0
EPS = 1e-12


def setup_inputs(seed: int = 0) -> dict:
    key = jax.random.key(seed)
    k1, k2 = jax.random.split(key)
    # rate2_stimulus_set: pairs of stimulus indices in [0, n_stimuli]; 0 is the mask token
    rate2_stimulus_set = jax.random.randint(k1, (BATCH, 2), 0, 31)
    # percept embedding table: (n_stimuli + 1, n_dim), Keras default uniform(-0.05, 0.05)
    percept = jax.random.uniform(k2, (N_STIMULI + 1, N_DIM), minval=-0.05, maxval=0.05, dtype=jnp.float32)
    # Minkowski per-dimension weights (w_initializer=Constant(1.0), trainable=False)
    w = jnp.ones((N_DIM,), dtype=jnp.float32)
    # Logistic layer parameters (standard psiz defaults)
    upper = jnp.asarray(1.0, dtype=jnp.float32)
    midpoint = jnp.asarray(0.0, dtype=jnp.float32)
    rate = jnp.asarray(1.0, dtype=jnp.float32)
    return {
        "rate2_stimulus_set": rate2_stimulus_set,
        "percept": percept,
        "w": w,
        "upper": upper,
        "midpoint": midpoint,
        "rate": rate,
    }


def reference(rate2_stimulus_set, percept, w, upper, midpoint, rate):
    # Embedding lookup: z shape [B, 2, D]
    z = jnp.take(percept, rate2_stimulus_set, axis=0)
    # Split along the stimuli axis (axis=1)
    z0 = z[:, 0, :]
    z1 = z[:, 1, :]
    # Minkowski distance with rho=2, w=1 (EPS guards pow(0, 1/rho) grad; negligible fwd effect)
    d_pow = jnp.sum(w * jnp.power(jnp.abs(z0 - z1), RHO), axis=-1)
    d = jnp.power(jnp.maximum(d_pow, EPS), 1.0 / RHO)
    # ExponentialSimilarity: s = exp(-beta * d^tau) + gamma
    s = jnp.exp(-BETA * jnp.power(d, TAU)) + GAMMA
    # Logistic: y = upper / (1 + exp(-rate * (s - midpoint)))
    y = upper / (1.0 + jnp.exp(-rate * (s - midpoint)))
    # keepdims to mirror tf.split output rank: [B, 1]
    return y[:, None]

if __name__ == "__main__":
    import jax
    _d = setup_inputs()
    print(jax.jit(kernel)(*tuple(_d.values())))

</pallas_src>

<mosaic_0001>
#map = affine_map<(d0, d1) -> (0, 0)>
#map1 = affine_map<(d0, d1) -> (0)>
module attributes {stable_mosaic.version = 14 : i64} {
  func.func @k(%arg0: i32, %arg1: i32, %arg2: memref<16384x2xi32, #tpu.memory_space<hbm>>, %arg3: memref<45x16xf32, #tpu.memory_space<hbm>>, %arg4: memref<16384xf32, #tpu.memory_space<hbm>>, %arg5: memref<512x2xi32, #tpu.memory_space<vmem>>, %arg6: memref<45x16xf32, #tpu.memory_space<vmem>>, %arg7: memref<64xf32, #tpu.memory_space<vmem>>, %arg8: memref<1024xf32, #tpu.memory_space<vmem>>, %arg9: memref<512xf32, #tpu.memory_space<vmem>>, %arg10: memref<1024xf32, #tpu.memory_space<vmem_shared>>, %arg11: memref<!tpu.dma_semaphore, #tpu.memory_space<semaphore_mem>>, %arg12: memref<!tpu.dma_semaphore, #tpu.memory_space<semaphore_mem>>) attributes {dimension_semantics = [#tpu.dimension_semantics<core_parallel>, #tpu.dimension_semantics<subcore_parallel>], iteration_bounds = array<i64: 2, 16>, scalar_prefetch = 0 : i64, scratch_operands = 8 : i64, tpu.core_type = #tpu.core_type<sc_vector_subcore>, window_params = [{transform_indices = #map}, {transform_indices = #map}, {transform_indices = #map1}]} {
    %mul3A = arith.constant 2 : i32
    %mul3A_0 = arith.muli %arg1, %mul3A : i32
    %add3A = arith.addi %mul3A_0, %arg0 : i32
    %mul3A_1 = arith.constant 512 : i32
    %mul3A_2 = arith.muli %add3A, %mul3A_1 : i32
    %dma_start3A = arith.constant 0 : i32
    %dma_start3A_3 = tpu.memref_slice %arg2[%mul3A_2, %dma_start3A] : memref<16384x2xi32, #tpu.memory_space<hbm>> -> memref<512x2xi32, #tpu.memory_space<hbm>>
    %dma_start3A_4 = arith.constant 0 : i32
    %dma_start3A_5 = tpu.memref_slice %arg2[%mul3A_2, %dma_start3A_4] : memref<16384x2xi32, #tpu.memory_space<hbm>> -> memref<512x2xi32, #tpu.memory_space<hbm>>
    tpu.enqueue_dma source(%dma_start3A_5 : memref<512x2xi32, #tpu.memory_space<hbm>>) target(%arg5 : memref<512x2xi32, #tpu.memory_space<vmem>>) target_semaphore(%arg11 : memref<!tpu.dma_semaphore, #tpu.memory_space<semaphore_mem>>)
    tpu.enqueue_dma source(%arg3 : memref<45x16xf32, #tpu.memory_space<hbm>>) target(%arg6 : memref<45x16xf32, #tpu.memory_space<vmem>>) target_semaphore(%arg12 : memref<!tpu.dma_semaphore, #tpu.memory_space<semaphore_mem>>)
    tpu.wait_dma2 semaphore(%arg12 : memref<!tpu.dma_semaphore, #tpu.memory_space<semaphore_mem>>) src(%arg3 : memref<45x16xf32, #tpu.memory_space<hbm>>) dst(%arg6 : memref<45x16xf32, #tpu.memory_space<vmem>>)
    %iota3A = tpu.iota {dimensions = array<i32: 0>} : vector<16xi32>
    %broadcast_in_dim3A = arith.constant 0.000000e+00 : f32
    %broadcast_in_dim3A_6 = vector.broadcast %broadcast_in_dim3A : f32 to vector<16xf32>
    %mul3A_7 = arith.constant 64 : i32
    %mul3A_8 = arith.muli %arg1, %mul3A_7 : i32
    %get3A = arith.constant 32 : i32
    %get3A_9 = arith.index_cast %get3A : i32 to index
    %get3A_10 = arith.constant 0 : index
    %get3A_11 = tpu.vector_load %arg6[%get3A_9, %get3A_10] {strides = array<i32>} : memref<45x16xf32, #tpu.memory_space<vmem>>, vector<16xf32>,
    %get3A_12 = arith.constant 33 : i32
    %get3A_13 = arith.index_cast %get3A_12 : i32 to index
    %get3A_14 = arith.constant 0 : index
    %get3A_15 = tpu.vector_load %arg6[%get3A_13, %get3A_14] {strides = array<i32>} : memref<45x16xf32, #tpu.memory_space<vmem>>, vector<16xf32>,
    %get3A_16 = arith.constant 34 : i32
    %get3A_17 = arith.index_cast %get3A_16 : i32 to index
    %get3A_18 = arith.constant 0 : index
    %get3A_19 = tpu.vector_load %arg6[%get3A_17, %get3A_18] {strides = array<i32>} : memref<45x16xf32, #tpu.memory_space<vmem>>, vector<16xf32>,
    %get3A_20 = arith.constant 35 : i32
    %get3A_21 = arith.index_cast %get3A_20 : i32 to index
    %get3A_22 = arith.constant 0 : index
    %get3A_23 = tpu.vector_load %arg6[%get3A_21, %get3A_22] {strides = array<i32>} : memref<45x16xf32, #tpu.memory_space<vmem>>, vector<16xf32>,
    %get3A_24 = arith.constant 36 : i32
    %get3A_25 = arith.index_cast %get3A_24 : i32 to index
    %get3A_26 = arith.constant 0 : index
    %get3A_27 = tpu.vector_load %arg6[%get3A_25, %get3A_26] {strides = array<i32>} : memref<45x16xf32, #tpu.memory_space<vmem>>, vector<16xf32>,
    %get3A_28 = arith.constant 37 : i32
    %get3A_29 = arith.index_cast %get3A_28 : i32 to index
    %get3A_30 = arith.constant 0 : index
    %get3A_31 = tpu.vector_load %arg6[%get3A_29, %get3A_30] {strides = array<i32>} : memref<45x16xf32, #tpu.memory_space<vmem>>, vector<16xf32>,
    %get3A_32 = arith.constant 38 : i32
    %get3A_33 = arith.index_cast %get3A_32 : i32 to index
    %get3A_34 = arith.constant 0 : index
    %get3A_35 = tpu.vector_load %arg6[%get3A_33, %get3A_34] {strides = array<i32>} : memref<45x16xf32, #tpu.memory_space<vmem>>, vector<16xf32>,
    %get3A_36 = arith.constant 39 : i32
    %get3A_37 = arith.index_cast %get3A_36 : i32 to index
    %get3A_38 = arith.constant 0 : index
    %get3A_39 = tpu.vector_load %arg6[%get3A_37, %get3A_38] {strides = array<i32>} : memref<45x16xf32, #tpu.memory_space<vmem>>, vector<16xf32>,
    %get3A_40 = arith.constant 40 : i32
    %get3A_41 = arith.index_cast %get3A_40 : i32 to index
    %get3A_42 = arith.constant 0 : index
    %get3A_43 = tpu.vector_load %arg6[%get3A_41, %get3A_42] {strides = array<i32>} : memref<45x16xf32, #tpu.memory_space<vmem>>, vector<16xf32>,
    %get3A_44 = arith.constant 41 : i32
    %get3A_45 = arith.index_cast %get3A_44 : i32 to index
    %get3A_46 = arith.constant 0 : index
    %get3A_47 = tpu.vector_load %arg6[%get3A_45, %get3A_46] {strides = array<i32>} : memref<45x16xf32, #tpu.memory_space<vmem>>, vector<16xf32>,
    %get3A_48 = arith.constant 42 : i32
    %get3A_49 = arith.index_cast %get3A_48 : i32 to index
    %get3A_50 = arith.constant 0 : index
    %get3A_51 = tpu.vector_load %arg6[%get3A_49, %get3A_50] {strides = array<i32>} : memref<45x16xf32, #tpu.memory_space<vmem>>, vector<16xf32>,
    %get3A_52 = arith.constant 43 : i32
    %get3A_53 = arith.index_cast %get3A_52 : i32 to index
    %get3A_54 = arith.constant 0 : index
    %get3A_55 = tpu.vector_load %arg6[%get3A_53, %get3A_54] {strides = array<i32>} : memref<45x16xf32, #tpu.memory_space<vmem>>, vector<16xf32>,
    %get3A_56 = arith.constant 44 : i32
    %get3A_57 = arith.index_cast %get3A_56 : i32 to index
    %get3A_58 = arith.constant 0 : index
    %get3A_59 = tpu.vector_load %arg6[%get3A_57, %get3A_58] {strides = array<i32>} : memref<45x16xf32, #tpu.memory_space<vmem>>, vector<16xf32>,
    %add3A_60 = arith.constant 0 : i32
    %add3A_61 = arith.addi %mul3A_8, %add3A_60 : i32
    %add3A_62 = vector.broadcast %add3A_61 : i32 to vector<16xi32>
    %add3A_63 = arith.addi %iota3A, %add3A_62 : vector<16xi32>
    %shift_right_logical3A = arith.constant 5 : i32
    %shift_right_logical3A_64 = vector.broadcast %shift_right_logical3A : i32 to vector<16xi32>
    %shift_right_logical3A_65 = arith.shrui %add3A_63, %shift_right_logical3A_64 : vector<16xi32>
    %and3A = arith.constant 31 : i32
    %and3A_66 = vector.broadcast %and3A : i32 to vector<16xi32>
    %and3A_67 = arith.andi %add3A_63, %and3A_66 : vector<16xi32>
    %broadcast_in_dim3A_68 = arith.constant 0 : i32
    %broadcast_in_dim3A_69 = vector.broadcast %broadcast_in_dim3A_68 : i32 to vector<16xi32>
    %gather3A = tpu.vector_load_idx %arg6[%shift_right_logical3A_65, %broadcast_in_dim3A_69] : memref<45x16xf32, #tpu.memory_space<vmem>>[vector<16xi32>, vector<16xi32>], vector<16xf32>,
    %gather3A_70 = tpu.vector_load_idx %arg6[%and3A_67, %broadcast_in_dim3A_69] : memref<45x16xf32, #tpu.memory_space<vmem>>[vector<16xi32>, vector<16xi32>], vector<16xf32>,
    %sub3A = arith.subf %gather3A, %gather3A_70 : vector<16xf32>
    %mul3A_71 = arith.mulf %sub3A, %sub3A : vector<16xf32>
    %mul3A_72 = arith.mulf %get3A_11, %mul3A_71 : vector<16xf32>
    %add3A_73 = arith.addf %broadcast_in_dim3A_6, %mul3A_72 : vector<16xf32>
    %broadcast_in_dim3A_74 = arith.constant 1 : i32
    %broadcast_in_dim3A_75 = vector.broadcast %broadcast_in_dim3A_74 : i32 to vector<16xi32>
    %gather3A_76 = tpu.vector_load_idx %arg6[%shift_right_logical3A_65, %broadcast_in_dim3A_75] : memref<45x16xf32, #tpu.memory_space<vmem>>[vector<16xi32>, vector<16xi32>], vector<16xf32>,
    %gather3A_77 = tpu.vector_load_idx %arg6[%and3A_67, %broadcast_in_dim3A_75] : memref<45x16xf32, #tpu.memory_space<vmem>>[vector<16xi32>, vector<16xi32>], vector<16xf32>,
    %sub3A_78 = arith.subf %gather3A_76, %gather3A_77 : vector<16xf32>
    %mul3A_79 = arith.mulf %sub3A_78, %sub3A_78 : vector<16xf32>
    %mul3A_80 = arith.mulf %get3A_15, %mul3A_79 : vector<16xf32>
    %add3A_81 = arith.addf %add3A_73, %mul3A_80 : vector<16xf32>
    %broadcast_in_dim3A_82 = arith.constant 2 : i32
    %broadcast_in_dim3A_83 = vector.broadcast %broadcast_in_dim3A_82 : i32 to vector<16xi32>
    %gather3A_84 = tpu.vector_load_idx %arg6[%shift_right_logical3A_65, %broadcast_in_dim3A_83] : memref<45x16xf32, #tpu.memory_space<vmem>>[vector<16xi32>, vector<16xi32>], vector<16xf32>,
    %gather3A_85 = tpu.vector_load_idx %arg6[%and3A_67, %broadcast_in_dim3A_83] : memref<45x16xf32, #tpu.memory_space<vmem>>[vector<16xi32>, vector<16xi32>], vector<16xf32>,
    %sub3A_86 = arith.subf %gather3A_84, %gather3A_85 : vector<16xf32>
    %mul3A_87 = arith.mulf %sub3A_86, %sub3A_86 : vector<16xf32>
    %mul3A_88 = arith.mulf %get3A_19, %mul3A_87 : vector<16xf32>
    %add3A_89 = arith.addf %add3A_81, %mul3A_88 : vector<16xf32>
    %broadcast_in_dim3A_90 = arith.constant 3 : i32
    %broadcast_in_dim3A_91 = vector.broadcast %broadcast_in_dim3A_90 : i32 to vector<16xi32>
    %gather3A_92 = tpu.vector_load_idx %arg6[%shift_right_logical3A_65, %broadcast_in_dim3A_91] : memref<45x16xf32, #tpu.memory_space<vmem>>[vector<16xi32>, vector<16xi32>], vector<16xf32>,
    %gather3A_93 = tpu.vector_load_idx %arg6[%and3A_67, %broadcast_in_dim3A_91] : memref<45x16xf32, #tpu.memory_space<vmem>>[vector<16xi32>, vector<16xi32>], vector<16xf32>,
    %sub3A_94 = arith.subf %gather3A_92, %gather3A_93 : vector<16xf32>
    %mul3A_95 = arith.mulf %sub3A_94, %sub3A_94 : vector<16xf32>
    %mul3A_96 = arith.mulf %get3A_23, %mul3A_95 : vector<16xf32>
    %add3A_97 = arith.addf %add3A_89, %mul3A_96 : vector<16xf32>
    %broadcast_in_dim3A_98 = arith.constant 4 : i32
    %broadcast_in_dim3A_99 = vector.broadcast %broadcast_in_dim3A_98 : i32 to vector<16xi32>
    %gather3A_100 = tpu.vector_load_idx %arg6[%shift_right_logical3A_65, %broadcast_in_dim3A_99] : memref<45x16xf32, #tpu.memory_space<vmem>>[vector<16xi32>, vector<16xi32>], vector<16xf32>,
    %gather3A_101 = tpu.vector_load_idx %arg6[%and3A_67, %broadcast_in_dim3A_99] : memref<45x16xf32, #tpu.memory_space<vmem>>[vector<16xi32>, vector<16xi32>], vector<16xf32>,
    %sub3A_102 = arith.subf %gather3A_100, %gather3A_101 : vector<16xf32>
    %mul3A_103 = arith.mulf %sub3A_102, %sub3A_102 : vector<16xf32>
    %mul3A_104 = arith.mulf %get3A_27, %mul3A_103 : vector<16xf32>
    %add3A_105 = arith.addf %add3A_97, %mul3A_104 : vector<16xf32>
    %broadcast_in_dim3A_106 = arith.constant 5 : i32
    %broadcast_in_dim3A_107 = vector.broadcast %broadcast_in_dim3A_106 : i32 to vector<16xi32>
    %gather3A_108 = tpu.vector_load_idx %arg6[%shift_right_logical3A_65, %broadcast_in_dim3A_107] : memref<45x16xf32, #tpu.memory_space<vmem>>[vector<16xi32>, vector<16xi32>], vector<16xf32>,
    %gather3A_109 = tpu.vector_load_idx %arg6[%and3A_67, %broadcast_in_dim3A_107] : memref<45x16xf32, #tpu.memory_space<vmem>>[vector<16xi32>, vector<16xi32>], vector<16xf32>,
    %sub3A_110 = arith.subf %gather3A_108, %gather3A_109 : vector<16xf32>
    %mul3A_111 = arith.mulf %sub3A_110, %sub3A_110 : vector<16xf32>
    %mul3A_112 = arith.mulf %get3A_31, %mul3A_111 : vector<16xf32>
    %add3A_113 = arith.addf %add3A_105, %mul3A_112 : vector<16xf32>
    %broadcast_in_dim3A_114 = arith.constant 6 : i32
    %broadcast_in_dim3A_115 = vector.broadcast %broadcast_in_dim3A_114 : i32 to vector<16xi32>
    %gather3A_116 = tpu.vector_load_idx %arg6[%shift_right_logical3A_65, %broadcast_in_dim3A_115] : memref<45x16xf32, #tpu.memory_space<vmem>>[vector<16xi32>, vector<16xi32>], vector<16xf32>,
    %gather3A_117 = tpu.vector_load_idx %arg6[%and3A_67, %broadcast_in_dim3A_115] : memref<45x16xf32, #tpu.memory_space<vmem>>[vector<16xi32>, vector<16xi32>], vector<16xf32>,
    %sub3A_118 = arith.subf %gather3A_116, %gather3A_117 : vector<16xf32>
    %mul3A_119 = arith.mulf %sub3A_118, %sub3A_118 : vector<16xf32>
    %mul3A_120 = arith.mulf %get3A_35, %mul3A_119 : vector<16xf32>
    %add3A_121 = arith.addf %add3A_113, %mul3A_120 : vector<16xf32>
    %broadcast_in_dim3A_122 = arith.constant 7 : i32
    %broadcast_in_dim3A_123 = vector.broadcast %broadcast_in_dim3A_122 : i32 to vector<16xi32>
    %gather3A_124 = tpu.vector_load_idx %arg6[%shift_right_logical3A_65, %broadcast_in_dim3A_123] : memref<45x16xf32, #tpu.memory_space<vmem>>[vector<16xi32>, vector<16xi32>], vector<16xf32>,
    %gather3A_125 = tpu.vector_load_idx %arg6[%and3A_67, %broadcast_in_dim3A_123] : memref<45x16xf32, #tpu.memory_space<vmem>>[vector<16xi32>, vector<16xi32>], vector<16xf32>,
    %sub3A_126 = arith.subf %gather3A_124, %gather3A_125 : vector<16xf32>
    %mul3A_127 = arith.mulf %sub3A_126, %sub3A_126 : vector<16xf32>
    %mul3A_128 = arith.mulf %get3A_39, %mul3A_127 : vector<16xf32>
    %add3A_129 = arith.addf %add3A_121, %mul3A_128 : vector<16xf32>
    %broadcast_in_dim3A_130 = arith.constant 8 : i32
    %broadcast_in_dim3A_131 = vector.broadcast %broadcast_in_dim3A_130 : i32 to vector<16xi32>
    %gather3A_132 = tpu.vector_load_idx %arg6[%shift_right_logical3A_65, %broadcast_in_dim3A_131] : memref<45x16xf32, #tpu.memory_space<vmem>>[vector<16xi32>, vector<16xi32>], vector<16xf32>,
    %gather3A_133 = tpu.vector_load_idx %arg6[%and3A_67, %broadcast_in_dim3A_131] : memref<45x16xf32, #tpu.memory_space<vmem>>[vector<16xi32>, vector<16xi32>], vector<16xf32>,
    %sub3A_134 = arith.subf %gather3A_132, %gather3A_133 : vector<16xf32>
    %mul3A_135 = arith.mulf %sub3A_134, %sub3A_134 : vector<16xf32>
    %mul3A_136 = arith.mulf %get3A_43, %mul3A_135 : vector<16xf32>
    %add3A_137 = arith.addf %add3A_129, %mul3A_136 : vector<16xf32>
    %broadcast_in_dim3A_138 = arith.constant 9 : i32
    %broadcast_in_dim3A_139 = vector.broadcast %broadcast_in_dim3A_138 : i32 to vector<16xi32>
    %gather3A_140 = tpu.vector_load_idx %arg6[%shift_right_logical3A_65, %broadcast_in_dim3A_139] : memref<45x16xf32, #tpu.memory_space<vmem>>[vector<16xi32>, vector<16xi32>], vector<16xf32>,
    %gather3A_141 = tpu.vector_load_idx %arg6[%and3A_67, %broadcast_in_dim3A_139] : memref<45x16xf32, #tpu.memory_space<vmem>>[vector<16xi32>, vector<16xi32>], vector<16xf32>,
    %sub3A_142 = arith.subf %gather3A_140, %gather3A_141 : vector<16xf32>
    %mul3A_143 = arith.mulf %sub3A_142, %sub3A_142 : vector<16xf32>
    %mul3A_144 = arith.mulf %get3A_47, %mul3A_143 : vector<16xf32>
    %add3A_145 = arith.addf %add3A_137, %mul3A_144 : vector<16xf32>
    %max3A = arith.constant 9.99999996E-13 : f32
    %max3A_146 = vector.broadcast %max3A : f32 to vector<16xf32>
    %max3A_147 = arith.maximumf %add3A_145, %max3A_146 : vector<16xf32>
    %bitcast_convert_type3A = tpu.bitcast %max3A_147 : vector<16xf32> -> vector<16xi32>
    %shift_right_logical3A_148 = arith.constant 1 : i32
    %shift_right_logical3A_149 = vector.broadcast %shift_right_logical3A_148 : i32 to vector<16xi32>
    %shift_right_logical3A_150 = arith.shrui %bitcast_convert_type3A, %shift_right_logical3A_149 : vector<16xi32>
    %sub3A_151 = arith.constant 1597463007 : i32
    %sub3A_152 = vector.broadcast %sub3A_151 : i32 to vector<16xi32>
    %sub3A_153 = arith.subi %sub3A_152, %shift_right_logical3A_150 : vector<16xi32>
    %bitcast_convert_type3A_154 = tpu.bitcast %sub3A_153 : vector<16xi32> -> vector<16xf32>
    %mul3A_155 = arith.constant 5.000000e-01 : f32
    %mul3A_156 = vector.broadcast %mul3A_155 : f32 to vector<16xf32>
    %mul3A_157 = arith.mulf %mul3A_156, %max3A_147 : vector<16xf32>
    %mul3A_158 = arith.mulf %mul3A_157, %bitcast_convert_type3A_154 : vector<16xf32>
    %mul3A_159 = arith.mulf %mul3A_158, %bitcast_convert_type3A_154 : vector<16xf32>
    %sub3A_160 = arith.constant 1.500000e+00 : f32
    %sub3A_161 = vector.broadcast %sub3A_160 : f32 to vector<16xf32>
    %sub3A_162 = arith.subf %sub3A_161, %mul3A_159 : vector<16xf32>
    %mul3A_163 = arith.mulf %bitcast_convert_type3A_154, %sub3A_162 : vector<16xf32>
    %mul3A_164 = arith.mulf %mul3A_157, %mul3A_163 : vector<16xf32>
    %mul3A_165 = arith.mulf %mul3A_164, %mul3A_163 : vector<16xf32>
    %sub3A_166 = arith.constant 1.500000e+00 : f32
    %sub3A_167 = vector.broadcast %sub3A_166 : f32 to vector<16xf32>
    %sub3A_168 = arith.subf %sub3A_167, %mul3A_165 : vector<16xf32>
    %mul3A_169 = arith.mulf %mul3A_163, %sub3A_168 : vector<16xf32>
    %mul3A_170 = arith.mulf %mul3A_157, %mul3A_169 : vector<16xf32>
    %mul3A_171 = arith.mulf %mul3A_170, %mul3A_169 : vector<16xf32>
    %sub3A_172 = arith.constant 1.500000e+00 : f32
    %sub3A_173 = vector.broadcast %sub3A_172 : f32 to vector<16xf32>
    %sub3A_174 = arith.subf %sub3A_173, %mul3A_171 : vector<16xf32>
    %mul3A_175 = arith.mulf %mul3A_169, %sub3A_174 : vector<16xf32>
    %mul3A_176 = arith.mulf %max3A_147, %mul3A_175 : vector<16xf32>
    %mul3A_177 = arith.constant -3.000000e+00 : f32
    %mul3A_178 = vector.broadcast %mul3A_177 : f32 to vector<16xf32>
    %mul3A_179 = arith.mulf %mul3A_178, %mul3A_176 : vector<16xf32>
    %exp3A = math.exp %mul3A_179 : vector<16xf32>
    %neg3A = arith.constant 0.000000e+00 : f32
    %neg3A_180 = vector.broadcast %neg3A : f32 to vector<16xf32>
    %neg3A_181 = arith.subf %neg3A_180, %get3A_59 : vector<16xf32>
    %sub3A_182 = arith.subf %exp3A, %get3A_55 : vector<16xf32>
    %mul3A_183 = arith.mulf %neg3A_181, %sub3A_182 : vector<16xf32>
    %exp3A_184 = math.exp %mul3A_183 : vector<16xf32>
    %add3A_185 = arith.constant 1.000000e+00 : f32
    %add3A_186 = vector.broadcast %add3A_185 : f32 to vector<16xf32>
    %add3A_187 = arith.addf %add3A_186, %exp3A_184 : vector<16xf32>
    %div3A = arith.divf %get3A_51, %add3A_187 : vector<16xf32>
    %swap3A = arith.constant 0 : index
    %swap3A_188 = tpu.vector_load %arg7[%swap3A] {strides = array<i32>} : memref<64xf32, #tpu.memory_space<vmem>>, vector<16xf32>,
    tpu.vector_store %arg7[%swap3A], %div3A {strides = array<i32>} : memref<64xf32, #tpu.memory_space<vmem>>, vector<16xf32>,
    %add3A_189 = arith.constant 16 : i32
    %add3A_190 = arith.addi %mul3A_8, %add3A_189 : i32
    %add3A_191 = vector.broadcast %add3A_190 : i32 to vector<16xi32>
    %add3A_192 = arith.addi %iota3A, %add3A_191 : vector<16xi32>
    %shift_right_logical3A_193 = arith.constant 5 : i32
    %shift_right_logical3A_194 = vector.broadcast %shift_right_logical3A_193 : i32 to vector<16xi32>
    %shift_right_logical3A_195 = arith.shrui %add3A_192, %shift_right_logical3A_194 : vector<16xi32>
    %and3A_196 = arith.constant 31 : i32
    %and3A_197 = vector.broadcast %and3A_196 : i32 to vector<16xi32>
    %and3A_198 = arith.andi %add3A_192, %and3A_197 : vector<16xi32>
    %broadcast_in_dim3A_199 = arith.constant 0 : i32
    %broadcast_in_dim3A_200 = vector.broadcast %broadcast_in_dim3A_199 : i32 to vector<16xi32>
    %gather3A_201 = tpu.vector_load_idx %arg6[%shift_right_logical3A_195, %broadcast_in_dim3A_200] : memref<45x16xf32, #tpu.memory_space<vmem>>[vector<16xi32>, vector<16xi32>], vector<16xf32>,
    %gather3A_202 = tpu.vector_load_idx %arg6[%and3A_198, %broadcast_in_dim3A_200] : memref<45x16xf32, #tpu.memory_space<vmem>>[vector<16xi32>, vector<16xi32>], vector<16xf32>,
    %sub3A_203 = arith.subf %gather3A_201, %gather3A_202 : vector<16xf32>
    %mul3A_204 = arith.mulf %sub3A_203, %sub3A_203 : vector<16xf32>
    %mul3A_205 = arith.mulf %get3A_11, %mul3A_204 : vector<16xf32>
    %add3A_206 = arith.addf %broadcast_in_dim3A_6, %mul3A_205 : vector<16xf32>
    %broadcast_in_dim3A_207 = arith.constant 1 : i32
    %broadcast_in_dim3A_208 = vector.broadcast %broadcast_in_dim3A_207 : i32 to vector<16xi32>
    %gather3A_209 = tpu.vector_load_idx %arg6[%shift_right_logical3A_195, %broadcast_in_dim3A_208] : memref<45x16xf32, #tpu.memory_space<vmem>>[vector<16xi32>, vector<16xi32>], vector<16xf32>,
    %gather3A_210 = tpu.vector_load_idx %arg6[%and3A_198, %broadcast_in_dim3A_208] : memref<45x16xf32, #tpu.memory_space<vmem>>[vector<16xi32>, vector<16xi32>], vector<16xf32>,
    %sub3A_211 = arith.subf %gather3A_209, %gather3A_210 : vector<16xf32>
    %mul3A_212 = arith.mulf %sub3A_211, %sub3A_211 : vector<16xf32>
    %mul3A_213 = arith.mulf %get3A_15, %mul3A_212 : vector<16xf32>
    %add3A_214 = arith.addf %add3A_206, %mul3A_213 : vector<16xf32>
    %broadcast_in_dim3A_215 = arith.constant 2 : i32
    %broadcast_in_dim3A_216 = vector.broadcast %broadcast_in_dim3A_215 : i32 to vector<16xi32>
    %gather3A_217 = tpu.vector_load_idx %arg6[%shift_right_logical3A_195, %broadcast_in_dim3A_216] : memref<45x16xf32, #tpu.memory_space<vmem>>[vector<16xi32>, vector<16xi32>], vector<16xf32>,
    %gather3A_218 = tpu.vector_load_idx %arg6[%and3A_198, %broadcast_in_dim3A_216] : memref<45x16xf32, #tpu.memory_space<vmem>>[vector<16xi32>, vector<16xi32>], vector<16xf32>,
    %sub3A_219 = arith.subf %gather3A_217, %gather3A_218 : vector<16xf32>
    %mul3A_220 = arith.mulf %sub3A_219, %sub3A_219 : vector<16xf32>
    %mul3A_221 = arith.mulf %get3A_19, %mul3A_220 : vector<16xf32>
    %add3A_222 = arith.addf %add3A_214, %mul3A_221 : vector<16xf32>
    %broadcast_in_dim3A_223 = arith.constant 3 : i32
    %broadcast_in_dim3A_224 = vector.broadcast %broadcast_in_dim3A_223 : i32 to vector<16xi32>
    %gather3A_225 = tpu.vector_load_idx %arg6[%shift_right_logical3A_195, %broadcast_in_dim3A_224] : memref<45x16xf32, #tpu.memory_space<vmem>>[vector<16xi32>, vector<16xi32>], vector<16xf32>,
    %gather3A_226 = tpu.vector_load_idx %arg6[%and3A_198, %broadcast_in_dim3A_224] : memref<45x16xf32, #tpu.memory_space<vmem>>[vector<16xi32>, vector<16xi32>], vector<16xf32>,
    %sub3A_227 = arith.subf %gather3A_225, %gather3A_226 : vector<16xf32>
    %mul3A_228 = arith.mulf %sub3A_227, %sub3A_227 : vector<16xf32>
    %mul3A_229 = arith.mulf %get3A_23, %mul3A_228 : vector<16xf32>
    %add3A_230 = arith.addf %add3A_222, %mul3A_229 : vector<16xf32>
    %broadcast_in_dim3A_231 = arith.constant 4 : i32
    %broadcast_in_dim3A_232 = vector.broadcast %broadcast_in_dim3A_231 : i32 to vector<16xi32>
    %gather3A_233 = tpu.vector_load_idx %arg6[%shift_right_logical3A_195, %broadcast_in_dim3A_232] : memref<45x16xf32, #tpu.memory_space<vmem>>[vector<16xi32>, vector<16xi32>], vector<16xf32>,
    %gather3A_234 = tpu.vector_load_idx %arg6[%and3A_198, %broadcast_in_dim3A_232] : memref<45x16xf32, #tpu.memory_space<vmem>>[vector<16xi32>, vector<16xi32>], vector<16xf32>,
    %sub3A_235 = arith.subf %gather3A_233, %gather3A_234 : vector<16xf32>
    %mul3A_236 = arith.mulf %sub3A_235, %sub3A_235 : vector<16xf32>
    %mul3A_237 = arith.mulf %get3A_27, %mul3A_236 : vector<16xf32>
    %add3A_238 = arith.addf %add3A_230, %mul3A_237 : vector<16xf32>
    %broadcast_in_dim3A_239 = arith.constant 5 : i32
    %broadcast_in_dim3A_240 = vector.broadcast %broadcast_in_dim3A_239 : i32 to vector<16xi32>
    %gather3A_241 = tpu.vector_load_idx %arg6[%shift_right_logical3A_195, %broadcast_in_dim3A_240] : memref<45x16xf32, #tpu.memory_space<vmem>>[vector<16xi32>, vector<16xi32>], vector<16xf32>,
    %gather3A_242 = tpu.vector_load_idx %arg6[%and3A_198, %broadcast_in_dim3A_240] : memref<45x16xf32, #tpu.memory_space<vmem>>[vector<16xi32>, vector<16xi32>], vector<16xf32>,
    %sub3A_243 = arith.subf %gather3A_241, %gather3A_242 : vector<16xf32>
    %mul3A_244 = arith.mulf %sub3A_243, %sub3A_243 : vector<16xf32>
    %mul3A_245 = arith.mulf %get3A_31, %mul3A_244 : vector<16xf32>
    %add3A_246 = arith.addf %add3A_238, %mul3A_245 : vector<16xf32>
    %broadcast_in_dim3A_247 = arith.constant 6 : i32
    %broadcast_in_dim3A_248 = vector.broadcast %broadcast_in_dim3A_247 : i32 to vector<16xi32>
    %gather3A_249 = tpu.vector_load_idx %arg6[%shift_right_logical3A_195, %broadcast_in_dim3A_248] : memref<45x16xf32, #tpu.memory_space<vmem>>[vector<16xi32>, vector<16xi32>], vector<16xf32>,
    %gather3A_250 = tpu.vector_load_idx %arg6[%and3A_198, %broadcast_in_dim3A_248] : memref<45x16xf32, #tpu.memory_space<vmem>>[vector<16xi32>, vector<16xi32>], vector<16xf32>,
    %sub3A_251 = arith.subf %gather3A_249, %gather3A_250 : vector<16xf32>
    %mul3A_252 = arith.mulf %sub3A_251, %sub3A_251 : vector<16xf32>
    %mul3A_253 = arith.mulf %get3A_35, %mul3A_252 : vector<16xf32>
    %add3A_254 = arith.addf %add3A_246, %mul3A_253 : vector<16xf32>
    %broadcast_in_dim3A_255 = arith.constant 7 : i32
    %broadcast_in_dim3A_256 = vector.broadcast %broadcast_in_dim3A_255 : i32 to vector<16xi32>
    %gather3A_257 = tpu.vector_load_idx %arg6[%shift_right_logical3A_195, %broadcast_in_dim3A_256] : memref<45x16xf32, #tpu.memory_space<vmem>>[vector<16xi32>, vector<16xi32>], vector<16xf32>,
    %gather3A_258 = tpu.vector_load_idx %arg6[%and3A_198, %broadcast_in_dim3A_256] : memref<45x16xf32, #tpu.memory_space<vmem>>[vector<16xi32>, vector<16xi32>], vector<16xf32>,
    %sub3A_259 = arith.subf %gather3A_257, %gather3A_258 : vector<16xf32>
    %mul3A_260 = arith.mulf %sub3A_259, %sub3A_259 : vector<16xf32>
    %mul3A_261 = arith.mulf %get3A_39, %mul3A_260 : vector<16xf32>
    %add3A_262 = arith.addf %add3A_254, %mul3A_261 : vector<16xf32>
    %broadcast_in_dim3A_263 = arith.constant 8 : i32
    %broadcast_in_dim3A_264 = vector.broadcast %broadcast_in_dim3A_263 : i32 to vector<16xi32>
    %gather3A_265 = tpu.vector_load_idx %arg6[%shift_right_logical3A_195, %broadcast_in_dim3A_264] : memref<45x16xf32, #tpu.memory_space<vmem>>[vector<16xi32>, vector<16xi32>], vector<16xf32>,
    %gather3A_266 = tpu.vector_load_idx %arg6[%and3A_198, %broadcast_in_dim3A_264] : memref<45x16xf32, #tpu.memory_space<vmem>>[vector<16xi32>, vector<16xi32>], vector<16xf32>,
    %sub3A_267 = arith.subf %gather3A_265, %gather3A_266 : vector<16xf32>
    %mul3A_268 = arith.mulf %sub3A_267, %sub3A_267 : vector<16xf32>
    %mul3A_269 = arith.mulf %get3A_43, %mul3A_268 : vector<16xf32>
    %add3A_270 = arith.addf %add3A_262, %mul3A_269 : vector<16xf32>
    %broadcast_in_dim3A_271 = arith.constant 9 : i32
    %broadcast_in_dim3A_272 = vector.broadcast %broadcast_in_dim3A_271 : i32 to vector<16xi32>
    %gather3A_273 = tpu.vector_load_idx %arg6[%shift_right_logical3A_195, %broadcast_in_dim3A_272] : memref<45x16xf32, #tpu.memory_space<vmem>>[vector<16xi32>, vector<16xi32>], vector<16xf32>,
    %gather3A_274 = tpu.vector_load_idx %arg6[%and3A_198, %broadcast_in_dim3A_272] : memref<45x16xf32, #tpu.memory_space<vmem>>[vector<16xi32>, vector<16xi32>], vector<16xf32>,
    %sub3A_275 = arith.subf %gather3A_273, %gather3A_274 : vector<16xf32>
    %mul3A_276 = arith.mulf %sub3A_275, %sub3A_275 : vector<16xf32>
    %mul3A_277 = arith.mulf %get3A_47, %mul3A_276 : vector<16xf32>
    %add3A_278 = arith.addf %add3A_270, %mul3A_277 : vector<16xf32>
    %max3A_279 = arith.constant 9.99999996E-13 : f32
    %max3A_280 = vector.broadcast %max3A_279 : f32 to vector<16xf32>
    %max3A_281 = arith.maximumf %add3A_278, %max3A_280 : vector<16xf32>
    %bitcast_convert_type3A_282 = tpu.bitcast %max3A_281 : vector<16xf32> -> vector<16xi32>
    %shift_right_logical3A_283 = arith.constant 1 : i32
    %shift_right_logical3A_284 = vector.broadcast %shift_right_logical3A_283 : i32 to vector<16xi32>
    %shift_right_logical3A_285 = arith.shrui %bitcast_convert_type3A_282, %shift_right_logical3A_284 : vector<16xi32>
    %sub3A_286 = arith.constant 1597463007 : i32
    %sub3A_287 = vector.broadcast %sub3A_286 : i32 to vector<16xi32>
    %sub3A_288 = arith.subi %sub3A_287, %shift_right_logical3A_285 : vector<16xi32>
    %bitcast_convert_type3A_289 = tpu.bitcast %sub3A_288 : vector<16xi32> -> vector<16xf32>
    %mul3A_290 = arith.constant 5.000000e-01 : f32
    %mul3A_291 = vector.broadcast %mul3A_290 : f32 to vector<16xf32>
    %mul3A_292 = arith.mulf %mul3A_291, %max3A_281 : vector<16xf32>
    %mul3A_293 = arith.mulf %mul3A_292, %bitcast_convert_type3A_289 : vector<16xf32>
    %mul3A_294 = arith.mulf %mul3A_293, %bitcast_convert_type3A_289 : vector<16xf32>
    %sub3A_295 = arith.constant 1.500000e+00 : f32
    %sub3A_296 = vector.broadcast %sub3A_295 : f32 to vector<16xf32>
    %sub3A_297 = arith.subf %sub3A_296, %mul3A_294 : vector<16xf32>
    %mul3A_298 = arith.mulf %bitcast_convert_type3A_289, %sub3A_297 : vector<16xf32>
    %mul3A_299 = arith.mulf %mul3A_292, %mul3A_298 : vector<16xf32>
    %mul3A_300 = arith.mulf %mul3A_299, %mul3A_298 : vector<16xf32>
    %sub3A_301 = arith.constant 1.500000e+00 : f32
    %sub3A_302 = vector.broadcast %sub3A_301 : f32 to vector<16xf32>
    %sub3A_303 = arith.subf %sub3A_302, %mul3A_300 : vector<16xf32>
    %mul3A_304 = arith.mulf %mul3A_298, %sub3A_303 : vector<16xf32>
    %mul3A_305 = arith.mulf %mul3A_292, %mul3A_304 : vector<16xf32>
    %mul3A_306 = arith.mulf %mul3A_305, %mul3A_304 : vector<16xf32>
    %sub3A_307 = arith.constant 1.500000e+00 : f32
    %sub3A_308 = vector.broadcast %sub3A_307 : f32 to vector<16xf32>
    %sub3A_309 = arith.subf %sub3A_308, %mul3A_306 : vector<16xf32>
    %mul3A_310 = arith.mulf %mul3A_304, %sub3A_309 : vector<16xf32>
    %mul3A_311 = arith.mulf %max3A_281, %mul3A_310 : vector<16xf32>
    %mul3A_312 = arith.constant -3.000000e+00 : f32
    %mul3A_313 = vector.broadcast %mul3A_312 : f32 to vector<16xf32>
    %mul3A_314 = arith.mulf %mul3A_313, %mul3A_311 : vector<16xf32>
    %exp3A_315 = math.exp %mul3A_314 : vector<16xf32>
    %neg3A_316 = arith.constant 0.000000e+00 : f32
    %neg3A_317 = vector.broadcast %neg3A_316 : f32 to vector<16xf32>
    %neg3A_318 = arith.subf %neg3A_317, %get3A_59 : vector<16xf32>
    %sub3A_319 = arith.subf %exp3A_315, %get3A_55 : vector<16xf32>
    %mul3A_320 = arith.mulf %neg3A_318, %sub3A_319 : vector<16xf32>
    %exp3A_321 = math.exp %mul3A_320 : vector<16xf32>
    %add3A_322 = arith.constant 1.000000e+00 : f32
    %add3A_323 = vector.broadcast %add3A_322 : f32 to vector<16xf32>
    %add3A_324 = arith.addf %add3A_323, %exp3A_321 : vector<16xf32>
    %div3A_325 = arith.divf %get3A_51, %add3A_324 : vector<16xf32>
    %swap3A_326 = arith.constant 16 : index
    %swap3A_327 = tpu.vector_load %arg7[%swap3A_326] {strides = array<i32>} : memref<64xf32, #tpu.memory_space<vmem>>, vector<16xf32>,
    tpu.vector_store %arg7[%swap3A_326], %div3A_325 {strides = array<i32>} : memref<64xf32, #tpu.memory_space<vmem>>, vector<16xf32>,
    %add3A_328 = arith.constant 32 : i32
    %add3A_329 = arith.addi %mul3A_8, %add3A_328 : i32
    %add3A_330 = vector.broadcast %add3A_329 : i32 to vector<16xi32>
    %add3A_331 = arith.addi %iota3A, %add3A_330 : vector<16xi32>
    %shift_right_logical3A_332 = arith.constant 5 : i32
    %shift_right_logical3A_333 = vector.broadcast %shift_right_logical3A_332 : i32 to vector<16xi32>
    %shift_right_logical3A_334 = arith.shrui %add3A_331, %shift_right_logical3A_333 : vector<16xi32>
    %and3A_335 = arith.constant 31 : i32
    %and3A_336 = vector.broadcast %and3A_335 : i32 to vector<16xi32>
    %and3A_337 = arith.andi %add3A_331, %and3A_336 : vector<16xi32>
    %broadcast_in_dim3A_338 = arith.constant 0 : i32
    %broadcast_in_dim3A_339 = vector.broadcast %broadcast_in_dim3A_338 : i32 to vector<16xi32>
    %gather3A_340 = tpu.vector_load_idx %arg6[%shift_right_logical3A_334, %broadcast_in_dim3A_339] : memref<45x16xf32, #tpu.memory_space<vmem>>[vector<16xi32>, vector<16xi32>], vector<16xf32>,
    %gather3A_341 = tpu.vector_load_idx %arg6[%and3A_337, %broadcast_in_dim3A_339] : memref<45x16xf32, #tpu.memory_space<vmem>>[vector<16xi32>, vector<16xi32>], vector<16xf32>,
    %sub3A_342 = arith.subf %gather3A_340, %gather3A_341 : vector<16xf32>
    %mul3A_343 = arith.mulf %sub3A_342, %sub3A_342 : vector<16xf32>
    %mul3A_344 = arith.mulf %get3A_11, %mul3A_343 : vector<16xf32>
    %add3A_345 = arith.addf %broadcast_in_dim3A_6, %mul3A_344 : vector<16xf32>
    %broadcast_in_dim3A_346 = arith.constant 1 : i32
    %broadcast_in_dim3A_347 = vector.broadcast %broadcast_in_dim3A_346 : i32 to vector<16xi32>
    %gather3A_348 = tpu.vector_load_idx %arg6[%shift_right_logical3A_334, %broadcast_in_dim3A_347] : memref<45x16xf32, #tpu.memory_space<vmem>>[vector<16xi32>, vector<16xi32>], vector<16xf32>,
    %gather3A_349 = tpu.vector_load_idx %arg6[%and3A_337, %broadcast_in_dim3A_347] : memref<45x16xf32, #tpu.memory_space<vmem>>[vector<16xi32>, vector<16xi32>], vector<16xf32>,
    %sub3A_350 = arith.subf %gather3A_348, %gather3A_349 : vector<16xf32>
    %mul3A_351 = arith.mulf %sub3A_350, %sub3A_350 : vector<16xf32>
    %mul3A_352 = arith.mulf %get3A_15, %mul3A_351 : vector<16xf32>
    %add3A_353 = arith.addf %add3A_345, %mul3A_352 : vector<16xf32>
    %broadcast_in_dim3A_354 = arith.constant 2 : i32
    %broadcast_in_dim3A_355 = vector.broadcast %broadcast_in_dim3A_354 : i32 to vector<16xi32>
    %gather3A_356 = tpu.vector_load_idx %arg6[%shift_right_logical3A_334, %broadcast_in_dim3A_355] : memref<45x16xf32, #tpu.memory_space<vmem>>[vector<16xi32>, vector<16xi32>], vector<16xf32>,
    %gather3A_357 = tpu.vector_load_idx %arg6[%and3A_337, %broadcast_in_dim3A_355] : memref<45x16xf32, #tpu.memory_space<vmem>>[vector<16xi32>, vector<16xi32>], vector<16xf32>,
    %sub3A_358 = arith.subf %gather3A_356, %gather3A_357 : vector<16xf32>
    %mul3A_359 = arith.mulf %sub3A_358, %sub3A_358 : vector<16xf32>
    %mul3A_360 = arith.mulf %get3A_19, %mul3A_359 : vector<16xf32>
    %add3A_361 = arith.addf %add3A_353, %mul3A_360 : vector<16xf32>
    %broadcast_in_dim3A_362 = arith.constant 3 : i32
    %broadcast_in_dim3A_363 = vector.broadcast %broadcast_in_dim3A_362 : i32 to vector<16xi32>
    %gather3A_364 = tpu.vector_load_idx %arg6[%shift_right_logical3A_334, %broadcast_in_dim3A_363] : memref<45x16xf32, #tpu.memory_space<vmem>>[vector<16xi32>, vector<16xi32>], vector<16xf32>,
    %gather3A_365 = tpu.vector_load_idx %arg6[%and3A_337, %broadcast_in_dim3A_363] : memref<45x16xf32, #tpu.memory_space<vmem>>[vector<16xi32>, vector<16xi32>], vector<16xf32>,
    %sub3A_366 = arith.subf %gather3A_364, %gather3A_365 : vector<16xf32>
    %mul3A_367 = arith.mulf %sub3A_366, %sub3A_366 : vector<16xf32>
    %mul3A_368 = arith.mulf %get3A_23, %mul3A_367 : vector<16xf32>
    %add3A_369 = arith.addf %add3A_361, %mul3A_368 : vector<16xf32>
    %broadcast_in_dim3A_370 = arith.constant 4 : i32
    %broadcast_in_dim3A_371 = vector.broadcast %broadcast_in_dim3A_370 : i32 to vector<16xi32>
    %gather3A_372 = tpu.vector_load_idx %arg6[%shift_right_logical3A_334, %broadcast_in_dim3A_371] : memref<45x16xf32, #tpu.memory_space<vmem>>[vector<16xi32>, vector<16xi32>], vector<16xf32>,
    %gather3A_373 = tpu.vector_load_idx %arg6[%and3A_337, %broadcast_in_dim3A_371] : memref<45x16xf32, #tpu.memory_space<vmem>>[vector<16xi32>, vector<16xi32>], vector<16xf32>,
    %sub3A_374 = arith.subf %gather3A_372, %gather3A_373 : vector<16xf32>
    %mul3A_375 = arith.mulf %sub3A_374, %sub3A_374 : vector<16xf32>
    %mul3A_376 = arith.mulf %get3A_27, %mul3A_375 : vector<16xf32>
    %add3A_377 = arith.addf %add3A_369, %mul3A_376 : vector<16xf32>
    %broadcast_in_dim3A_378 = arith.constant 5 : i32
    %broadcast_in_dim3A_379 = vector.broadcast %broadcast_in_dim3A_378 : i32 to vector<16xi32>
    %gather3A_380 = tpu.vector_load_idx %arg6[%shift_right_logical3A_334, %broadcast_in_dim3A_379] : memref<45x16xf32, #tpu.memory_space<vmem>>[vector<16xi32>, vector<16xi32>], vector<16xf32>,
    %gather3A_381 = tpu.vector_load_idx %arg6[%and3A_337, %broadcast_in_dim3A_379] : memref<45x16xf32, #tpu.memory_space<vmem>>[vector<16xi32>, vector<16xi32>], vector<16xf32>,
    %sub3A_382 = arith.subf %gather3A_380, %gather3A_381 : vector<16xf32>
    %mul3A_383 = arith.mulf %sub3A_382, %sub3A_382 : vector<16xf32>
    %mul3A_384 = arith.mulf %get3A_31, %mul3A_383 : vector<16xf32>
    %add3A_385 = arith.addf %add3A_377, %mul3A_384 : vector<16xf32>
    %broadcast_in_dim3A_386 = arith.constant 6 : i32
    %broadcast_in_dim3A_387 = vector.broadcast %broadcast_in_dim3A_386 : i32 to vector<16xi32>
    %gather3A_388 = tpu.vector_load_idx %arg6[%shift_right_logical3A_334, %broadcast_in_dim3A_387] : memref<45x16xf32, #tpu.memory_space<vmem>>[vector<16xi32>, vector<16xi32>], vector<16xf32>,
    %gather3A_389 = tpu.vector_load_idx %arg6[%and3A_337, %broadcast_in_dim3A_387] : memref<45x16xf32, #tpu.memory_space<vmem>>[vector<16xi32>, vector<16xi32>], vector<16xf32>,
    %sub3A_390 = arith.subf %gather3A_388, %gather3A_389 : vector<16xf32>
    %mul3A_391 = arith.mulf %sub3A_390, %sub3A_390 : vector<16xf32>
    %mul3A_392 = arith.mulf %get3A_35, %mul3A_391 : vector<16xf32>
    %add3A_393 = arith.addf %add3A_385, %mul3A_392 : vector<16xf32>
    %broadcast_in_dim3A_394 = arith.constant 7 : i32
    %broadcast_in_dim3A_395 = vector.broadcast %broadcast_in_dim3A_394 : i32 to vector<16xi32>
    %gather3A_396 = tpu.vector_load_idx %arg6[%shift_right_logical3A_334, %broadcast_in_dim3A_395] : memref<45x16xf32, #tpu.memory_space<vmem>>[vector<16xi32>, vector<16xi32>], vector<16xf32>,
    %gather3A_397 = tpu.vector_load_idx %arg6[%and3A_337, %broadcast_in_dim3A_395] : memref<45x16xf32, #tpu.memory_space<vmem>>[vector<16xi32>, vector<16xi32>], vector<16xf32>,
    %sub3A_398 = arith.subf %gather3A_396, %gather3A_397 : vector<16xf32>
    %mul3A_399 = arith.mulf %sub3A_398, %sub3A_398 : vector<16xf32>
    %mul3A_400 = arith.mulf %get3A_39, %mul3A_399 : vector<16xf32>
    %add3A_401 = arith.addf %add3A_393, %mul3A_400 : vector<16xf32>
    %broadcast_in_dim3A_402 = arith.constant 8 : i32
    %broadcast_in_dim3A_403 = vector.broadcast %broadcast_in_dim3A_402 : i32 to vector<16xi32>
    %gather3A_404 = tpu.vector_load_idx %arg6[%shift_right_logical3A_334, %broadcast_in_dim3A_403] : memref<45x16xf32, #tpu.memory_space<vmem>>[vector<16xi32>, vector<16xi32>], vector<16xf32>,
    %gather3A_405 = tpu.vector_load_idx %arg6[%and3A_337, %broadcast_in_dim3A_403] : memref<45x16xf32, #tpu.memory_space<vmem>>[vector<16xi32>, vector<16xi32>], vector<16xf32>,
    %sub3A_406 = arith.subf %gather3A_404, %gather3A_405 : vector<16xf32>
    %mul3A_407 = arith.mulf %sub3A_406, %sub3A_406 : vector<16xf32>
    %mul3A_408 = arith.mulf %get3A_43, %mul3A_407 : vector<16xf32>
    %add3A_409 = arith.addf %add3A_401, %mul3A_408 : vector<16xf32>
    %broadcast_in_dim3A_410 = arith.constant 9 : i32
    %broadcast_in_dim3A_411 = vector.broadcast %broadcast_in_dim3A_410 : i32 to vector<16xi32>
    %gather3A_412 = tpu.vector_load_idx %arg6[%shift_right_logical3A_334, %broadcast_in_dim3A_411] : memref<45x16xf32, #tpu.memory_space<vmem>>[vector<16xi32>, vector<16xi32>], vector<16xf32>,
    %gather3A_413 = tpu.vector_load_idx %arg6[%and3A_337, %broadcast_in_dim3A_411] : memref<45x16xf32, #tpu.memory_space<vmem>>[vector<16xi32>, vector<16xi32>], vector<16xf32>,
    %sub3A_414 = arith.subf %gather3A_412, %gather3A_413 : vector<16xf32>
    %mul3A_415 = arith.mulf %sub3A_414, %sub3A_414 : vector<16xf32>
    %mul3A_416 = arith.mulf %get3A_47, %mul3A_415 : vector<16xf32>
    %add3A_417 = arith.addf %add3A_409, %mul3A_416 : vector<16xf32>
    %max3A_418 = arith.constant 9.99999996E-13 : f32
    %max3A_419 = vector.broadcast %max3A_418 : f32 to vector<16xf32>
    %max3A_420 = arith.maximumf %add3A_417, %max3A_419 : vector<16xf32>
    %bitcast_convert_type3A_421 = tpu.bitcast %max3A_420 : vector<16xf32> -> vector<16xi32>
    %shift_right_logical3A_422 = arith.constant 1 : i32
    %shift_right_logical3A_423 = vector.broadcast %shift_right_logical3A_422 : i32 to vector<16xi32>
    %shift_right_logical3A_424 = arith.shrui %bitcast_convert_type3A_421, %shift_right_logical3A_423 : vector<16xi32>
    %sub3A_425 = arith.constant 1597463007 : i32
    %sub3A_426 = vector.broadcast %sub3A_425 : i32 to vector<16xi32>
    %sub3A_427 = arith.subi %sub3A_426, %shift_right_logical3A_424 : vector<16xi32>
    %bitcast_convert_type3A_428 = tpu.bitcast %sub3A_427 : vector<16xi32> -> vector<16xf32>
    %mul3A_429 = arith.constant 5.000000e-01 : f32
    %mul3A_430 = vector.broadcast %mul3A_429 : f32 to vector<16xf32>
    %mul3A_431 = arith.mulf %mul3A_430, %max3A_420 : vector<16xf32>
    %mul3A_432 = arith.mulf %mul3A_431, %bitcast_convert_type3A_428 : vector<16xf32>
    %mul3A_433 = arith.mulf %mul3A_432, %bitcast_convert_type3A_428 : vector<16xf32>
    %sub3A_434 = arith.constant 1.500000e+00 : f32
    %sub3A_435 = vector.broadcast %sub3A_434 : f32 to vector<16xf32>
    %sub3A_436 = arith.subf %sub3A_435, %mul3A_433 : vector<16xf32>
    %mul3A_437 = arith.mulf %bitcast_convert_type3A_428, %sub3A_436 : vector<16xf32>
    %mul3A_438 = arith.mulf %mul3A_431, %mul3A_437 : vector<16xf32>
    %mul3A_439 = arith.mulf %mul3A_438, %mul3A_437 : vector<16xf32>
    %sub3A_440 = arith.constant 1.500000e+00 : f32
    %sub3A_441 = vector.broadcast %sub3A_440 : f32 to vector<16xf32>
    %sub3A_442 = arith.subf %sub3A_441, %mul3A_439 : vector<16xf32>
    %mul3A_443 = arith.mulf %mul3A_437, %sub3A_442 : vector<16xf32>
    %mul3A_444 = arith.mulf %mul3A_431, %mul3A_443 : vector<16xf32>
    %mul3A_445 = arith.mulf %mul3A_444, %mul3A_443 : vector<16xf32>
    %sub3A_446 = arith.constant 1.500000e+00 : f32
    %sub3A_447 = vector.broadcast %sub3A_446 : f32 to vector<16xf32>
    %sub3A_448 = arith.subf %sub3A_447, %mul3A_445 : vector<16xf32>
    %mul3A_449 = arith.mulf %mul3A_443, %sub3A_448 : vector<16xf32>
    %mul3A_450 = arith.mulf %max3A_420, %mul3A_449 : vector<16xf32>
    %mul3A_451 = arith.constant -3.000000e+00 : f32
    %mul3A_452 = vector.broadcast %mul3A_451 : f32 to vector<16xf32>
    %mul3A_453 = arith.mulf %mul3A_452, %mul3A_450 : vector<16xf32>
    %exp3A_454 = math.exp %mul3A_453 : vector<16xf32>
    %neg3A_455 = arith.constant 0.000000e+00 : f32
    %neg3A_456 = vector.broadcast %neg3A_455 : f32 to vector<16xf32>
    %neg3A_457 = arith.subf %neg3A_456, %get3A_59 : vector<16xf32>
    %sub3A_458 = arith.subf %exp3A_454, %get3A_55 : vector<16xf32>
    %mul3A_459 = arith.mulf %neg3A_457, %sub3A_458 : vector<16xf32>
    %exp3A_460 = math.exp %mul3A_459 : vector<16xf32>
    %add3A_461 = arith.constant 1.000000e+00 : f32
    %add3A_462 = vector.broadcast %add3A_461 : f32 to vector<16xf32>
    %add3A_463 = arith.addf %add3A_462, %exp3A_460 : vector<16xf32>
    %div3A_464 = arith.divf %get3A_51, %add3A_463 : vector<16xf32>
    %swap3A_465 = arith.constant 32 : index
    %swap3A_466 = tpu.vector_load %arg7[%swap3A_465] {strides = array<i32>} : memref<64xf32, #tpu.memory_space<vmem>>, vector<16xf32>,
    tpu.vector_store %arg7[%swap3A_465], %div3A_464 {strides = array<i32>} : memref<64xf32, #tpu.memory_space<vmem>>, vector<16xf32>,
    %add3A_467 = arith.constant 48 : i32
    %add3A_468 = arith.addi %mul3A_8, %add3A_467 : i32
    %add3A_469 = vector.broadcast %add3A_468 : i32 to vector<16xi32>
    %add3A_470 = arith.addi %iota3A, %add3A_469 : vector<16xi32>
    %shift_right_logical3A_471 = arith.constant 5 : i32
    %shift_right_logical3A_472 = vector.broadcast %shift_right_logical3A_471 : i32 to vector<16xi32>
    %shift_right_logical3A_473 = arith.shrui %add3A_470, %shift_right_logical3A_472 : vector<16xi32>
    %and3A_474 = arith.constant 31 : i32
    %and3A_475 = vector.broadcast %and3A_474 : i32 to vector<16xi32>
    %and3A_476 = arith.andi %add3A_470, %and3A_475 : vector<16xi32>
    %broadcast_in_dim3A_477 = arith.constant 0 : i32
    %broadcast_in_dim3A_478 = vector.broadcast %broadcast_in_dim3A_477 : i32 to vector<16xi32>
    %gather3A_479 = tpu.vector_load_idx %arg6[%shift_right_logical3A_473, %broadcast_in_dim3A_478] : memref<45x16xf32, #tpu.memory_space<vmem>>[vector<16xi32>, vector<16xi32>], vector<16xf32>,
    %gather3A_480 = tpu.vector_load_idx %arg6[%and3A_476, %broadcast_in_dim3A_478] : memref<45x16xf32, #tpu.memory_space<vmem>>[vector<16xi32>, vector<16xi32>], vector<16xf32>,
    %sub3A_481 = arith.subf %gather3A_479, %gather3A_480 : vector<16xf32>
    %mul3A_482 = arith.mulf %sub3A_481, %sub3A_481 : vector<16xf32>
    %mul3A_483 = arith.mulf %get3A_11, %mul3A_482 : vector<16xf32>
    %add3A_484 = arith.addf %broadcast_in_dim3A_6, %mul3A_483 : vector<16xf32>
    %broadcast_in_dim3A_485 = arith.constant 1 : i32
    %broadcast_in_dim3A_486 = vector.broadcast %broadcast_in_dim3A_485 : i32 to vector<16xi32>
    %gather3A_487 = tpu.vector_load_idx %arg6[%shift_right_logical3A_473, %broadcast_in_dim3A_486] : memref<45x16xf32, #tpu.memory_space<vmem>>[vector<16xi32>, vector<16xi32>], vector<16xf32>,
    %gather3A_488 = tpu.vector_load_idx %arg6[%and3A_476, %broadcast_in_dim3A_486] : memref<45x16xf32, #tpu.memory_space<vmem>>[vector<16xi32>, vector<16xi32>], vector<16xf32>,
    %sub3A_489 = arith.subf %gather3A_487, %gather3A_488 : vector<16xf32>
    %mul3A_490 = arith.mulf %sub3A_489, %sub3A_489 : vector<16xf32>
    %mul3A_491 = arith.mulf %get3A_15, %mul3A_490 : vector<16xf32>
    %add3A_492 = arith.addf %add3A_484, %mul3A_491 : vector<16xf32>
    %broadcast_in_dim3A_493 = arith.constant 2 : i32
    %broadcast_in_dim3A_494 = vector.broadcast %broadcast_in_dim3A_493 : i32 to vector<16xi32>
    %gather3A_495 = tpu.vector_load_idx %arg6[%shift_right_logical3A_473, %broadcast_in_dim3A_494] : memref<45x16xf32, #tpu.memory_space<vmem>>[vector<16xi32>, vector<16xi32>], vector<16xf32>,
    %gather3A_496 = tpu.vector_load_idx %arg6[%and3A_476, %broadcast_in_dim3A_494] : memref<45x16xf32, #tpu.memory_space<vmem>>[vector<16xi32>, vector<16xi32>], vector<16xf32>,
    %sub3A_497 = arith.subf %gather3A_495, %gather3A_496 : vector<16xf32>
    %mul3A_498 = arith.mulf %sub3A_497, %sub3A_497 : vector<16xf32>
    %mul3A_499 = arith.mulf %get3A_19, %mul3A_498 : vector<16xf32>
    %add3A_500 = arith.addf %add3A_492, %mul3A_499 : vector<16xf32>
    %broadcast_in_dim3A_501 = arith.constant 3 : i32
    %broadcast_in_dim3A_502 = vector.broadcast %broadcast_in_dim3A_501 : i32 to vector<16xi32>
    %gather3A_503 = tpu.vector_load_idx %arg6[%shift_right_logical3A_473, %broadcast_in_dim3A_502] : memref<45x16xf32, #tpu.memory_space<vmem>>[vector<16xi32>, vector<16xi32>], vector<16xf32>,
    %gather3A_504 = tpu.vector_load_idx %arg6[%and3A_476, %broadcast_in_dim3A_502] : memref<45x16xf32, #tpu.memory_space<vmem>>[vector<16xi32>, vector<16xi32>], vector<16xf32>,
    %sub3A_505 = arith.subf %gather3A_503, %gather3A_504 : vector<16xf32>
    %mul3A_506 = arith.mulf %sub3A_505, %sub3A_505 : vector<16xf32>
    %mul3A_507 = arith.mulf %get3A_23, %mul3A_506 : vector<16xf32>
    %add3A_508 = arith.addf %add3A_500, %mul3A_507 : vector<16xf32>
    %broadcast_in_dim3A_509 = arith.constant 4 : i32
    %broadcast_in_dim3A_510 = vector.broadcast %broadcast_in_dim3A_509 : i32 to vector<16xi32>
    %gather3A_511 = tpu.vector_load_idx %arg6[%shift_right_logical3A_473, %broadcast_in_dim3A_510] : memref<45x16xf32, #tpu.memory_space<vmem>>[vector<16xi32>, vector<16xi32>], vector<16xf32>,
    %gather3A_512 = tpu.vector_load_idx %arg6[%and3A_476, %broadcast_in_dim3A_510] : memref<45x16xf32, #tpu.memory_space<vmem>>[vector<16xi32>, vector<16xi32>], vector<16xf32>,
    %sub3A_513 = arith.subf %gather3A_511, %gather3A_512 : vector<16xf32>
    %mul3A_514 = arith.mulf %sub3A_513, %sub3A_513 : vector<16xf32>
    %mul3A_515 = arith.mulf %get3A_27, %mul3A_514 : vector<16xf32>
    %add3A_516 = arith.addf %add3A_508, %mul3A_515 : vector<16xf32>
    %broadcast_in_dim3A_517 = arith.constant 5 : i32
    %broadcast_in_dim3A_518 = vector.broadcast %broadcast_in_dim3A_517 : i32 to vector<16xi32>
    %gather3A_519 = tpu.vector_load_idx %arg6[%shift_right_logical3A_473, %broadcast_in_dim3A_518] : memref<45x16xf32, #tpu.memory_space<vmem>>[vector<16xi32>, vector<16xi32>], vector<16xf32>,
    %gather3A_520 = tpu.vector_load_idx %arg6[%and3A_476, %broadcast_in_dim3A_518] : memref<45x16xf32, #tpu.memory_space<vmem>>[vector<16xi32>, vector<16xi32>], vector<16xf32>,
    %sub3A_521 = arith.subf %gather3A_519, %gather3A_520 : vector<16xf32>
    %mul3A_522 = arith.mulf %sub3A_521, %sub3A_521 : vector<16xf32>
    %mul3A_523 = arith.mulf %get3A_31, %mul3A_522 : vector<16xf32>
    %add3A_524 = arith.addf %add3A_516, %mul3A_523 : vector<16xf32>
    %broadcast_in_dim3A_525 = arith.constant 6 : i32
    %broadcast_in_dim3A_526 = vector.broadcast %broadcast_in_dim3A_525 : i32 to vector<16xi32>
    %gather3A_527 = tpu.vector_load_idx %arg6[%shift_right_logical3A_473, %broadcast_in_dim3A_526] : memref<45x16xf32, #tpu.memory_space<vmem>>[vector<16xi32>, vector<16xi32>], vector<16xf32>,
    %gather3A_528 = tpu.vector_load_idx %arg6[%and3A_476, %broadcast_in_dim3A_526] : memref<45x16xf32, #tpu.memory_space<vmem>>[vector<16xi32>, vector<16xi32>], vector<16xf32>,
    %sub3A_529 = arith.subf %gather3A_527, %gather3A_528 : vector<16xf32>
    %mul3A_530 = arith.mulf %sub3A_529, %sub3A_529 : vector<16xf32>
    %mul3A_531 = arith.mulf %get3A_35, %mul3A_530 : vector<16xf32>
    %add3A_532 = arith.addf %add3A_524, %mul3A_531 : vector<16xf32>
    %broadcast_in_dim3A_533 = arith.constant 7 : i32
    %broadcast_in_dim3A_534 = vector.broadcast %broadcast_in_dim3A_533 : i32 to vector<16xi32>
    %gather3A_535 = tpu.vector_load_idx %arg6[%shift_right_logical3A_473, %broadcast_in_dim3A_534] : memref<45x16xf32, #tpu.memory_space<vmem>>[vector<16xi32>, vector<16xi32>], vector<16xf32>,
    %gather3A_536 = tpu.vector_load_idx %arg6[%and3A_476, %broadcast_in_dim3A_534] : memref<45x16xf32, #tpu.memory_space<vmem>>[vector<16xi32>, vector<16xi32>], vector<16xf32>,
    %sub3A_537 = arith.subf %gather3A_535, %gather3A_536 : vector<16xf32>
    %mul3A_538 = arith.mulf %sub3A_537, %sub3A_537 : vector<16xf32>
    %mul3A_539 = arith.mulf %get3A_39, %mul3A_538 : vector<16xf32>
    %add3A_540 = arith.addf %add3A_532, %mul3A_539 : vector<16xf32>
    %broadcast_in_dim3A_541 = arith.constant 8 : i32
    %broadcast_in_dim3A_542 = vector.broadcast %broadcast_in_dim3A_541 : i32 to vector<16xi32>
    %gather3A_543 = tpu.vector_load_idx %arg6[%shift_right_logical3A_473, %broadcast_in_dim3A_542] : memref<45x16xf32, #tpu.memory_space<vmem>>[vector<16xi32>, vector<16xi32>], vector<16xf32>,
    %gather3A_544 = tpu.vector_load_idx %arg6[%and3A_476, %broadcast_in_dim3A_542] : memref<45x16xf32, #tpu.memory_space<vmem>>[vector<16xi32>, vector<16xi32>], vector<16xf32>,
    %sub3A_545 = arith.subf %gather3A_543, %gather3A_544 : vector<16xf32>
    %mul3A_546 = arith.mulf %sub3A_545, %sub3A_545 : vector<16xf32>
    %mul3A_547 = arith.mulf %get3A_43, %mul3A_546 : vector<16xf32>
    %add3A_548 = arith.addf %add3A_540, %mul3A_547 : vector<16xf32>
    %broadcast_in_dim3A_549 = arith.constant 9 : i32
    %broadcast_in_dim3A_550 = vector.broadcast %broadcast_in_dim3A_549 : i32 to vector<16xi32>
    %gather3A_551 = tpu.vector_load_idx %arg6[%shift_right_logical3A_473, %broadcast_in_dim3A_550] : memref<45x16xf32, #tpu.memory_space<vmem>>[vector<16xi32>, vector<16xi32>], vector<16xf32>,
    %gather3A_552 = tpu.vector_load_idx %arg6[%and3A_476, %broadcast_in_dim3A_550] : memref<45x16xf32, #tpu.memory_space<vmem>>[vector<16xi32>, vector<16xi32>], vector<16xf32>,
    %sub3A_553 = arith.subf %gather3A_551, %gather3A_552 : vector<16xf32>
    %mul3A_554 = arith.mulf %sub3A_553, %sub3A_553 : vector<16xf32>
    %mul3A_555 = arith.mulf %get3A_47, %mul3A_554 : vector<16xf32>
    %add3A_556 = arith.addf %add3A_548, %mul3A_555 : vector<16xf32>
    %max3A_557 = arith.constant 9.99999996E-13 : f32
    %max3A_558 = vector.broadcast %max3A_557 : f32 to vector<16xf32>
    %max3A_559 = arith.maximumf %add3A_556, %max3A_558 : vector<16xf32>
    %bitcast_convert_type3A_560 = tpu.bitcast %max3A_559 : vector<16xf32> -> vector<16xi32>
    %shift_right_logical3A_561 = arith.constant 1 : i32
    %shift_right_logical3A_562 = vector.broadcast %shift_right_logical3A_561 : i32 to vector<16xi32>
    %shift_right_logical3A_563 = arith.shrui %bitcast_convert_type3A_560, %shift_right_logical3A_562 : vector<16xi32>
    %sub3A_564 = arith.constant 1597463007 : i32
    %sub3A_565 = vector.broadcast %sub3A_564 : i32 to vector<16xi32>
    %sub3A_566 = arith.subi %sub3A_565, %shift_right_logical3A_563 : vector<16xi32>
    %bitcast_convert_type3A_567 = tpu.bitcast %sub3A_566 : vector<16xi32> -> vector<16xf32>
    %mul3A_568 = arith.constant 5.000000e-01 : f32
    %mul3A_569 = vector.broadcast %mul3A_568 : f32 to vector<16xf32>
    %mul3A_570 = arith.mulf %mul3A_569, %max3A_559 : vector<16xf32>
    %mul3A_571 = arith.mulf %mul3A_570, %bitcast_convert_type3A_567 : vector<16xf32>
    %mul3A_572 = arith.mulf %mul3A_571, %bitcast_convert_type3A_567 : vector<16xf32>
    %sub3A_573 = arith.constant 1.500000e+00 : f32
    %sub3A_574 = vector.broadcast %sub3A_573 : f32 to vector<16xf32>
    %sub3A_575 = arith.subf %sub3A_574, %mul3A_572 : vector<16xf32>
    %mul3A_576 = arith.mulf %bitcast_convert_type3A_567, %sub3A_575 : vector<16xf32>
    %mul3A_577 = arith.mulf %mul3A_570, %mul3A_576 : vector<16xf32>
    %mul3A_578 = arith.mulf %mul3A_577, %mul3A_576 : vector<16xf32>
    %sub3A_579 = arith.constant 1.500000e+00 : f32
    %sub3A_580 = vector.broadcast %sub3A_579 : f32 to vector<16xf32>
    %sub3A_581 = arith.subf %sub3A_580, %mul3A_578 : vector<16xf32>
    %mul3A_582 = arith.mulf %mul3A_576, %sub3A_581 : vector<16xf32>
    %mul3A_583 = arith.mulf %mul3A_570, %mul3A_582 : vector<16xf32>
    %mul3A_584 = arith.mulf %mul3A_583, %mul3A_582 : vector<16xf32>
    %sub3A_585 = arith.constant 1.500000e+00 : f32
    %sub3A_586 = vector.broadcast %sub3A_585 : f32 to vector<16xf32>
    %sub3A_587 = arith.subf %sub3A_586, %mul3A_584 : vector<16xf32>
    %mul3A_588 = arith.mulf %mul3A_582, %sub3A_587 : vector<16xf32>
    %mul3A_589 = arith.mulf %max3A_559, %mul3A_588 : vector<16xf32>
    %mul3A_590 = arith.constant -3.000000e+00 : f32
    %mul3A_591 = vector.broadcast %mul3A_590 : f32 to vector<16xf32>
    %mul3A_592 = arith.mulf %mul3A_591, %mul3A_589 : vector<16xf32>
    %exp3A_593 = math.exp %mul3A_592 : vector<16xf32>
    %neg3A_594 = arith.constant 0.000000e+00 : f32
    %neg3A_595 = vector.broadcast %neg3A_594 : f32 to vector<16xf32>
    %neg3A_596 = arith.subf %neg3A_595, %get3A_59 : vector<16xf32>
    %sub3A_597 = arith.subf %exp3A_593, %get3A_55 : vector<16xf32>
    %mul3A_598 = arith.mulf %neg3A_596, %sub3A_597 : vector<16xf32>
    %exp3A_599 = math.exp %mul3A_598 : vector<16xf32>
    %add3A_600 = arith.constant 1.000000e+00 : f32
    %add3A_601 = vector.broadcast %add3A_600 : f32 to vector<16xf32>
    %add3A_602 = arith.addf %add3A_601, %exp3A_599 : vector<16xf32>
    %div3A_603 = arith.divf %get3A_51, %add3A_602 : vector<16xf32>
    %swap3A_604 = arith.constant 48 : index
    %swap3A_605 = tpu.vector_load %arg7[%swap3A_604] {strides = array<i32>} : memref<64xf32, #tpu.memory_space<vmem>>, vector<16xf32>,
    tpu.vector_store %arg7[%swap3A_604], %div3A_603 {strides = array<i32>} : memref<64xf32, #tpu.memory_space<vmem>>, vector<16xf32>,
    "tpu.region"() ({
      %run_scoped3A = tpu.sem_alloc : memref<!tpu.dma_semaphore, #tpu.memory_space<semaphore_mem>>
      %dma_start3A_996 = tpu.memref_slice %arg10[%mul3A_8] : memref<1024xf32, #tpu.memory_space<vmem_shared>> -> memref<64xf32, #tpu.memory_space<vmem_shared>>
      %dma_start3A_997 = tpu.memref_slice %arg10[%mul3A_8] : memref<1024xf32, #tpu.memory_space<vmem_shared>> -> memref<64xf32, #tpu.memory_space<vmem_shared>>
      tpu.enqueue_dma source(%arg7 : memref<64xf32, #tpu.memory_space<vmem>>) target(%dma_start3A_997 : memref<64xf32, #tpu.memory_space<vmem_shared>>) target_semaphore(%run_scoped3A : memref<!tpu.dma_semaphore, #tpu.memory_space<semaphore_mem>>)
      %dma_wait3A_998 = tpu.memref_slice %arg10[%mul3A_8] : memref<1024xf32, #tpu.memory_space<vmem_shared>> -> memref<64xf32, #tpu.memory_space<vmem_shared>>
      %dma_wait3A_999 = tpu.memref_slice %arg10[%mul3A_8] : memref<1024xf32, #tpu.memory_space<vmem_shared>> -> memref<64xf32, #tpu.memory_space<vmem_shared>>
      tpu.wait_dma2 semaphore(%run_scoped3A : memref<!tpu.dma_semaphore, #tpu.memory_space<semaphore_mem>>) src(%arg7 : memref<64xf32, #tpu.memory_space<vmem>>) dst(%dma_wait3A_999 : memref<64xf32, #tpu.memory_space<vmem_shared>>)
      tpu.yield
    }) : () -> ()
    %barrier3A = arith.constant 0 : index
    tpu.barrier barrier_id(%barrier3A)
    "tpu.region"() ({
      %run_scoped3A = tpu.sem_alloc : memref<!tpu.dma_semaphore, #tpu.memory_space<semaphore_mem>>
      tpu.enqueue_dma source(%arg10 : memref<1024xf32, #tpu.memory_space<vmem_shared>>) target(%arg8 : memref<1024xf32, #tpu.memory_space<vmem>>) target_semaphore(%run_scoped3A : memref<!tpu.dma_semaphore, #tpu.memory_space<semaphore_mem>>)
      tpu.wait_dma2 semaphore(%run_scoped3A : memref<!tpu.dma_semaphore, #tpu.memory_space<semaphore_mem>>) src(%arg10 : memref<1024xf32, #tpu.memory_space<vmem_shared>>) dst(%arg8 : memref<1024xf32, #tpu.memory_space<vmem>>)
      tpu.yield
    }) : () -> ()
    %dma_wait3A = arith.constant 0 : i32
    %dma_wait3A_606 = tpu.memref_slice %arg2[%mul3A_2, %dma_wait3A] : memref<16384x2xi32, #tpu.memory_space<hbm>> -> memref<512x2xi32, #tpu.memory_space<hbm>>
    %dma_wait3A_607 = arith.constant 0 : i32
    %dma_wait3A_608 = tpu.memref_slice %arg2[%mul3A_2, %dma_wait3A_607] : memref<16384x2xi32, #tpu.memory_space<hbm>> -> memref<512x2xi32, #tpu.memory_space<hbm>>
    tpu.wait_dma2 semaphore(%arg11 : memref<!tpu.dma_semaphore, #tpu.memory_space<semaphore_mem>>) src(%dma_wait3A_608 : memref<512x2xi32, #tpu.memory_space<hbm>>) dst(%arg5 : memref<512x2xi32, #tpu.memory_space<vmem>>)
    %broadcast_in_dim3A_609 = arith.constant 0 : i32
    %broadcast_in_dim3A_610 = vector.broadcast %broadcast_in_dim3A_609 : i32 to vector<16xi32>
    %broadcast_in_dim3A_611 = arith.constant 1 : i32
    %broadcast_in_dim3A_612 = vector.broadcast %broadcast_in_dim3A_611 : i32 to vector<16xi32>
    %add3A_613 = arith.constant 0 : i32
    %add3A_614 = vector.broadcast %add3A_613 : i32 to vector<16xi32>
    %add3A_615 = arith.addi %iota3A, %add3A_614 : vector<16xi32>
    %gather3A_616 = tpu.vector_load_idx %arg5[%add3A_615, %broadcast_in_dim3A_610] : memref<512x2xi32, #tpu.memory_space<vmem>>[vector<16xi32>, vector<16xi32>], vector<16xi32>,
    %gather3A_617 = tpu.vector_load_idx %arg5[%add3A_615, %broadcast_in_dim3A_612] : memref<512x2xi32, #tpu.memory_space<vmem>>[vector<16xi32>, vector<16xi32>], vector<16xi32>,
    %shift_left3A = arith.constant 5 : i32
    %shift_left3A_618 = vector.broadcast %shift_left3A : i32 to vector<16xi32>
    %shift_left3A_619 = arith.shli %gather3A_616, %shift_left3A_618 : vector<16xi32>
    %add3A_620 = arith.addi %shift_left3A_619, %gather3A_617 : vector<16xi32>
    %gather3A_621 = tpu.vector_load_idx %arg8[%add3A_620] : memref<1024xf32, #tpu.memory_space<vmem>>[vector<16xi32>], vector<16xf32>,
    %swap3A_622 = arith.constant 0 : index
    %swap3A_623 = tpu.vector_load %arg9[%swap3A_622] {strides = array<i32>} : memref<512xf32, #tpu.memory_space<vmem>>, vector<16xf32>,
    tpu.vector_store %arg9[%swap3A_622], %gather3A_621 {strides = array<i32>} : memref<512xf32, #tpu.memory_space<vmem>>, vector<16xf32>,
    %add3A_624 = arith.constant 16 : i32
    %add3A_625 = vector.broadcast %add3A_624 : i32 to vector<16xi32>
    %add3A_626 = arith.addi %iota3A, %add3A_625 : vector<16xi32>
    %gather3A_627 = tpu.vector_load_idx %arg5[%add3A_626, %broadcast_in_dim3A_610] : memref<512x2xi32, #tpu.memory_space<vmem>>[vector<16xi32>, vector<16xi32>], vector<16xi32>,
    %gather3A_628 = tpu.vector_load_idx %arg5[%add3A_626, %broadcast_in_dim3A_612] : memref<512x2xi32, #tpu.memory_space<vmem>>[vector<16xi32>, vector<16xi32>], vector<16xi32>,
    %shift_left3A_629 = arith.constant 5 : i32
    %shift_left3A_630 = vector.broadcast %shift_left3A_629 : i32 to vector<16xi32>
    %shift_left3A_631 = arith.shli %gather3A_627, %shift_left3A_630 : vector<16xi32>
    %add3A_632 = arith.addi %shift_left3A_631, %gather3A_628 : vector<16xi32>
    %gather3A_633 = tpu.vector_load_idx %arg8[%add3A_632] : memref<1024xf32, #tpu.memory_space<vmem>>[vector<16xi32>], vector<16xf32>,
    %swap3A_634 = arith.constant 16 : index
    %swap3A_635 = tpu.vector_load %arg9[%swap3A_634] {strides = array<i32>} : memref<512xf32, #tpu.memory_space<vmem>>, vector<16xf32>,
    tpu.vector_store %arg9[%swap3A_634], %gather3A_633 {strides = array<i32>} : memref<512xf32, #tpu.memory_space<vmem>>, vector<16xf32>,
    %add3A_636 = arith.constant 32 : i32
    %add3A_637 = vector.broadcast %add3A_636 : i32 to vector<16xi32>
    %add3A_638 = arith.addi %iota3A, %add3A_637 : vector<16xi32>
    %gather3A_639 = tpu.vector_load_idx %arg5[%add3A_638, %broadcast_in_dim3A_610] : memref<512x2xi32, #tpu.memory_space<vmem>>[vector<16xi32>, vector<16xi32>], vector<16xi32>,
    %gather3A_640 = tpu.vector_load_idx %arg5[%add3A_638, %broadcast_in_dim3A_612] : memref<512x2xi32, #tpu.memory_space<vmem>>[vector<16xi32>, vector<16xi32>], vector<16xi32>,
    %shift_left3A_641 = arith.constant 5 : i32
    %shift_left3A_642 = vector.broadcast %shift_left3A_641 : i32 to vector<16xi32>
    %shift_left3A_643 = arith.shli %gather3A_639, %shift_left3A_642 : vector<16xi32>
    %add3A_644 = arith.addi %shift_left3A_643, %gather3A_640 : vector<16xi32>
    %gather3A_645 = tpu.vector_load_idx %arg8[%add3A_644] : memref<1024xf32, #tpu.memory_space<vmem>>[vector<16xi32>], vector<16xf32>,
    %swap3A_646 = arith.constant 32 : index
    %swap3A_647 = tpu.vector_load %arg9[%swap3A_646] {strides = array<i32>} : memref<512xf32, #tpu.memory_space<vmem>>, vector<16xf32>,
    tpu.vector_store %arg9[%swap3A_646], %gather3A_645 {strides = array<i32>} : memref<512xf32, #tpu.memory_space<vmem>>, vector<16xf32>,
    %add3A_648 = arith.constant 48 : i32
    %add3A_649 = vector.broadcast %add3A_648 : i32 to vector<16xi32>
    %add3A_650 = arith.addi %iota3A, %add3A_649 : vector<16xi32>
    %gather3A_651 = tpu.vector_load_idx %arg5[%add3A_650, %broadcast_in_dim3A_610] : memref<512x2xi32, #tpu.memory_space<vmem>>[vector<16xi32>, vector<16xi32>], vector<16xi32>,
    %gather3A_652 = tpu.vector_load_idx %arg5[%add3A_650, %broadcast_in_dim3A_612] : memref<512x2xi32, #tpu.memory_space<vmem>>[vector<16xi32>, vector<16xi32>], vector<16xi32>,
    %shift_left3A_653 = arith.constant 5 : i32
    %shift_left3A_654 = vector.broadcast %shift_left3A_653 : i32 to vector<16xi32>
    %shift_left3A_655 = arith.shli %gather3A_651, %shift_left3A_654 : vector<16xi32>
    %add3A_656 = arith.addi %shift_left3A_655, %gather3A_652 : vector<16xi32>
    %gather3A_657 = tpu.vector_load_idx %arg8[%add3A_656] : memref<1024xf32, #tpu.memory_space<vmem>>[vector<16xi32>], vector<16xf32>,
    %swap3A_658 = arith.constant 48 : index
    %swap3A_659 = tpu.vector_load %arg9[%swap3A_658] {strides = array<i32>} : memref<512xf32, #tpu.memory_space<vmem>>, vector<16xf32>,
    tpu.vector_store %arg9[%swap3A_658], %gather3A_657 {strides = array<i32>} : memref<512xf32, #tpu.memory_space<vmem>>, vector<16xf32>,
    %add3A_660 = arith.constant 64 : i32
    %add3A_661 = vector.broadcast %add3A_660 : i32 to vector<16xi32>
    %add3A_662 = arith.addi %iota3A, %add3A_661 : vector<16xi32>
    %gather3A_663 = tpu.vector_load_idx %arg5[%add3A_662, %broadcast_in_dim3A_610] : memref<512x2xi32, #tpu.memory_space<vmem>>[vector<16xi32>, vector<16xi32>], vector<16xi32>,
    %gather3A_664 = tpu.vector_load_idx %arg5[%add3A_662, %broadcast_in_dim3A_612] : memref<512x2xi32, #tpu.memory_space<vmem>>[vector<16xi32>, vector<16xi32>], vector<16xi32>,
    %shift_left3A_665 = arith.constant 5 : i32
    %shift_left3A_666 = vector.broadcast %shift_left3A_665 : i32 to vector<16xi32>
    %shift_left3A_667 = arith.shli %gather3A_663, %shift_left3A_666 : vector<16xi32>
    %add3A_668 = arith.addi %shift_left3A_667, %gather3A_664 : vector<16xi32>
    %gather3A_669 = tpu.vector_load_idx %arg8[%add3A_668] : memref<1024xf32, #tpu.memory_space<vmem>>[vector<16xi32>], vector<16xf32>,
    %swap3A_670 = arith.constant 64 : index
    %swap3A_671 = tpu.vector_load %arg9[%swap3A_670] {strides = array<i32>} : memref<512xf32, #tpu.memory_space<vmem>>, vector<16xf32>,
    tpu.vector_store %arg9[%swap3A_670], %gather3A_669 {strides = array<i32>} : memref<512xf32, #tpu.memory_space<vmem>>, vector<16xf32>,
    %add3A_672 = arith.constant 80 : i32
    %add3A_673 = vector.broadcast %add3A_672 : i32 to vector<16xi32>
    %add3A_674 = arith.addi %iota3A, %add3A_673 : vector<16xi32>
    %gather3A_675 = tpu.vector_load_idx %arg5[%add3A_674, %broadcast_in_dim3A_610] : memref<512x2xi32, #tpu.memory_space<vmem>>[vector<16xi32>, vector<16xi32>], vector<16xi32>,
    %gather3A_676 = tpu.vector_load_idx %arg5[%add3A_674, %broadcast_in_dim3A_612] : memref<512x2xi32, #tpu.memory_space<vmem>>[vector<16xi32>, vector<16xi32>], vector<16xi32>,
    %shift_left3A_677 = arith.constant 5 : i32
    %shift_left3A_678 = vector.broadcast %shift_left3A_677 : i32 to vector<16xi32>
    %shift_left3A_679 = arith.shli %gather3A_675, %shift_left3A_678 : vector<16xi32>
    %add3A_680 = arith.addi %shift_left3A_679, %gather3A_676 : vector<16xi32>
    %gather3A_681 = tpu.vector_load_idx %arg8[%add3A_680] : memref<1024xf32, #tpu.memory_space<vmem>>[vector<16xi32>], vector<16xf32>,
    %swap3A_682 = arith.constant 80 : index
    %swap3A_683 = tpu.vector_load %arg9[%swap3A_682] {strides = array<i32>} : memref<512xf32, #tpu.memory_space<vmem>>, vector<16xf32>,
    tpu.vector_store %arg9[%swap3A_682], %gather3A_681 {strides = array<i32>} : memref<512xf32, #tpu.memory_space<vmem>>, vector<16xf32>,
    %add3A_684 = arith.constant 96 : i32
    %add3A_685 = vector.broadcast %add3A_684 : i32 to vector<16xi32>
    %add3A_686 = arith.addi %iota3A, %add3A_685 : vector<16xi32>
    %gather3A_687 = tpu.vector_load_idx %arg5[%add3A_686, %broadcast_in_dim3A_610] : memref<512x2xi32, #tpu.memory_space<vmem>>[vector<16xi32>, vector<16xi32>], vector<16xi32>,
    %gather3A_688 = tpu.vector_load_idx %arg5[%add3A_686, %broadcast_in_dim3A_612] : memref<512x2xi32, #tpu.memory_space<vmem>>[vector<16xi32>, vector<16xi32>], vector<16xi32>,
    %shift_left3A_689 = arith.constant 5 : i32
    %shift_left3A_690 = vector.broadcast %shift_left3A_689 : i32 to vector<16xi32>
    %shift_left3A_691 = arith.shli %gather3A_687, %shift_left3A_690 : vector<16xi32>
    %add3A_692 = arith.addi %shift_left3A_691, %gather3A_688 : vector<16xi32>
    %gather3A_693 = tpu.vector_load_idx %arg8[%add3A_692] : memref<1024xf32, #tpu.memory_space<vmem>>[vector<16xi32>], vector<16xf32>,
    %swap3A_694 = arith.constant 96 : index
    %swap3A_695 = tpu.vector_load %arg9[%swap3A_694] {strides = array<i32>} : memref<512xf32, #tpu.memory_space<vmem>>, vector<16xf32>,
    tpu.vector_store %arg9[%swap3A_694], %gather3A_693 {strides = array<i32>} : memref<512xf32, #tpu.memory_space<vmem>>, vector<16xf32>,
    %add3A_696 = arith.constant 112 : i32
    %add3A_697 = vector.broadcast %add3A_696 : i32 to vector<16xi32>
    %add3A_698 = arith.addi %iota3A, %add3A_697 : vector<16xi32>
    %gather3A_699 = tpu.vector_load_idx %arg5[%add3A_698, %broadcast_in_dim3A_610] : memref<512x2xi32, #tpu.memory_space<vmem>>[vector<16xi32>, vector<16xi32>], vector<16xi32>,
    %gather3A_700 = tpu.vector_load_idx %arg5[%add3A_698, %broadcast_in_dim3A_612] : memref<512x2xi32, #tpu.memory_space<vmem>>[vector<16xi32>, vector<16xi32>], vector<16xi32>,
    %shift_left3A_701 = arith.constant 5 : i32
    %shift_left3A_702 = vector.broadcast %shift_left3A_701 : i32 to vector<16xi32>
    %shift_left3A_703 = arith.shli %gather3A_699, %shift_left3A_702 : vector<16xi32>
    %add3A_704 = arith.addi %shift_left3A_703, %gather3A_700 : vector<16xi32>
    %gather3A_705 = tpu.vector_load_idx %arg8[%add3A_704] : memref<1024xf32, #tpu.memory_space<vmem>>[vector<16xi32>], vector<16xf32>,
    %swap3A_706 = arith.constant 112 : index
    %swap3A_707 = tpu.vector_load %arg9[%swap3A_706] {strides = array<i32>} : memref<512xf32, #tpu.memory_space<vmem>>, vector<16xf32>,
    tpu.vector_store %arg9[%swap3A_706], %gather3A_705 {strides = array<i32>} : memref<512xf32, #tpu.memory_space<vmem>>, vector<16xf32>,
    %add3A_708 = arith.constant 128 : i32
    %add3A_709 = vector.broadcast %add3A_708 : i32 to vector<16xi32>
    %add3A_710 = arith.addi %iota3A, %add3A_709 : vector<16xi32>
    %gather3A_711 = tpu.vector_load_idx %arg5[%add3A_710, %broadcast_in_dim3A_610] : memref<512x2xi32, #tpu.memory_space<vmem>>[vector<16xi32>, vector<16xi32>], vector<16xi32>,
    %gather3A_712 = tpu.vector_load_idx %arg5[%add3A_710, %broadcast_in_dim3A_612] : memref<512x2xi32, #tpu.memory_space<vmem>>[vector<16xi32>, vector<16xi32>], vector<16xi32>,
    %shift_left3A_713 = arith.constant 5 : i32
    %shift_left3A_714 = vector.broadcast %shift_left3A_713 : i32 to vector<16xi32>
    %shift_left3A_715 = arith.shli %gather3A_711, %shift_left3A_714 : vector<16xi32>
    %add3A_716 = arith.addi %shift_left3A_715, %gather3A_712 : vector<16xi32>
    %gather3A_717 = tpu.vector_load_idx %arg8[%add3A_716] : memref<1024xf32, #tpu.memory_space<vmem>>[vector<16xi32>], vector<16xf32>,
    %swap3A_718 = arith.constant 128 : index
    %swap3A_719 = tpu.vector_load %arg9[%swap3A_718] {strides = array<i32>} : memref<512xf32, #tpu.memory_space<vmem>>, vector<16xf32>,
    tpu.vector_store %arg9[%swap3A_718], %gather3A_717 {strides = array<i32>} : memref<512xf32, #tpu.memory_space<vmem>>, vector<16xf32>,
    %add3A_720 = arith.constant 144 : i32
    %add3A_721 = vector.broadcast %add3A_720 : i32 to vector<16xi32>
    %add3A_722 = arith.addi %iota3A, %add3A_721 : vector<16xi32>
    %gather3A_723 = tpu.vector_load_idx %arg5[%add3A_722, %broadcast_in_dim3A_610] : memref<512x2xi32, #tpu.memory_space<vmem>>[vector<16xi32>, vector<16xi32>], vector<16xi32>,
    %gather3A_724 = tpu.vector_load_idx %arg5[%add3A_722, %broadcast_in_dim3A_612] : memref<512x2xi32, #tpu.memory_space<vmem>>[vector<16xi32>, vector<16xi32>], vector<16xi32>,
    %shift_left3A_725 = arith.constant 5 : i32
    %shift_left3A_726 = vector.broadcast %shift_left3A_725 : i32 to vector<16xi32>
    %shift_left3A_727 = arith.shli %gather3A_723, %shift_left3A_726 : vector<16xi32>
    %add3A_728 = arith.addi %shift_left3A_727, %gather3A_724 : vector<16xi32>
    %gather3A_729 = tpu.vector_load_idx %arg8[%add3A_728] : memref<1024xf32, #tpu.memory_space<vmem>>[vector<16xi32>], vector<16xf32>,
    %swap3A_730 = arith.constant 144 : index
    %swap3A_731 = tpu.vector_load %arg9[%swap3A_730] {strides = array<i32>} : memref<512xf32, #tpu.memory_space<vmem>>, vector<16xf32>,
    tpu.vector_store %arg9[%swap3A_730], %gather3A_729 {strides = array<i32>} : memref<512xf32, #tpu.memory_space<vmem>>, vector<16xf32>,
    %add3A_732 = arith.constant 160 : i32
    %add3A_733 = vector.broadcast %add3A_732 : i32 to vector<16xi32>
    %add3A_734 = arith.addi %iota3A, %add3A_733 : vector<16xi32>
    %gather3A_735 = tpu.vector_load_idx %arg5[%add3A_734, %broadcast_in_dim3A_610] : memref<512x2xi32, #tpu.memory_space<vmem>>[vector<16xi32>, vector<16xi32>], vector<16xi32>,
    %gather3A_736 = tpu.vector_load_idx %arg5[%add3A_734, %broadcast_in_dim3A_612] : memref<512x2xi32, #tpu.memory_space<vmem>>[vector<16xi32>, vector<16xi32>], vector<16xi32>,
    %shift_left3A_737 = arith.constant 5 : i32
    %shift_left3A_738 = vector.broadcast %shift_left3A_737 : i32 to vector<16xi32>
    %shift_left3A_739 = arith.shli %gather3A_735, %shift_left3A_738 : vector<16xi32>
    %add3A_740 = arith.addi %shift_left3A_739, %gather3A_736 : vector<16xi32>
    %gather3A_741 = tpu.vector_load_idx %arg8[%add3A_740] : memref<1024xf32, #tpu.memory_space<vmem>>[vector<16xi32>], vector<16xf32>,
    %swap3A_742 = arith.constant 160 : index
    %swap3A_743 = tpu.vector_load %arg9[%swap3A_742] {strides = array<i32>} : memref<512xf32, #tpu.memory_space<vmem>>, vector<16xf32>,
    tpu.vector_store %arg9[%swap3A_742], %gather3A_741 {strides = array<i32>} : memref<512xf32, #tpu.memory_space<vmem>>, vector<16xf32>,
    %add3A_744 = arith.constant 176 : i32
    %add3A_745 = vector.broadcast %add3A_744 : i32 to vector<16xi32>
    %add3A_746 = arith.addi %iota3A, %add3A_745 : vector<16xi32>
    %gather3A_747 = tpu.vector_load_idx %arg5[%add3A_746, %broadcast_in_dim3A_610] : memref<512x2xi32, #tpu.memory_space<vmem>>[vector<16xi32>, vector<16xi32>], vector<16xi32>,
    %gather3A_748 = tpu.vector_load_idx %arg5[%add3A_746, %broadcast_in_dim3A_612] : memref<512x2xi32, #tpu.memory_space<vmem>>[vector<16xi32>, vector<16xi32>], vector<16xi32>,
    %shift_left3A_749 = arith.constant 5 : i32
    %shift_left3A_750 = vector.broadcast %shift_left3A_749 : i32 to vector<16xi32>
    %shift_left3A_751 = arith.shli %gather3A_747, %shift_left3A_750 : vector<16xi32>
    %add3A_752 = arith.addi %shift_left3A_751, %gather3A_748 : vector<16xi32>
    %gather3A_753 = tpu.vector_load_idx %arg8[%add3A_752] : memref<1024xf32, #tpu.memory_space<vmem>>[vector<16xi32>], vector<16xf32>,
    %swap3A_754 = arith.constant 176 : index
    %swap3A_755 = tpu.vector_load %arg9[%swap3A_754] {strides = array<i32>} : memref<512xf32, #tpu.memory_space<vmem>>, vector<16xf32>,
    tpu.vector_store %arg9[%swap3A_754], %gather3A_753 {strides = array<i32>} : memref<512xf32, #tpu.memory_space<vmem>>, vector<16xf32>,
    %add3A_756 = arith.constant 192 : i32
    %add3A_757 = vector.broadcast %add3A_756 : i32 to vector<16xi32>
    %add3A_758 = arith.addi %iota3A, %add3A_757 : vector<16xi32>
    %gather3A_759 = tpu.vector_load_idx %arg5[%add3A_758, %broadcast_in_dim3A_610] : memref<512x2xi32, #tpu.memory_space<vmem>>[vector<16xi32>, vector<16xi32>], vector<16xi32>,
    %gather3A_760 = tpu.vector_load_idx %arg5[%add3A_758, %broadcast_in_dim3A_612] : memref<512x2xi32, #tpu.memory_space<vmem>>[vector<16xi32>, vector<16xi32>], vector<16xi32>,
    %shift_left3A_761 = arith.constant 5 : i32
    %shift_left3A_762 = vector.broadcast %shift_left3A_761 : i32 to vector<16xi32>
    %shift_left3A_763 = arith.shli %gather3A_759, %shift_left3A_762 : vector<16xi32>
    %add3A_764 = arith.addi %shift_left3A_763, %gather3A_760 : vector<16xi32>
    %gather3A_765 = tpu.vector_load_idx %arg8[%add3A_764] : memref<1024xf32, #tpu.memory_space<vmem>>[vector<16xi32>], vector<16xf32>,
    %swap3A_766 = arith.constant 192 : index
    %swap3A_767 = tpu.vector_load %arg9[%swap3A_766] {strides = array<i32>} : memref<512xf32, #tpu.memory_space<vmem>>, vector<16xf32>,
    tpu.vector_store %arg9[%swap3A_766], %gather3A_765 {strides = array<i32>} : memref<512xf32, #tpu.memory_space<vmem>>, vector<16xf32>,
    %add3A_768 = arith.constant 208 : i32
    %add3A_769 = vector.broadcast %add3A_768 : i32 to vector<16xi32>
    %add3A_770 = arith.addi %iota3A, %add3A_769 : vector<16xi32>
    %gather3A_771 = tpu.vector_load_idx %arg5[%add3A_770, %broadcast_in_dim3A_610] : memref<512x2xi32, #tpu.memory_space<vmem>>[vector<16xi32>, vector<16xi32>], vector<16xi32>,
    %gather3A_772 = tpu.vector_load_idx %arg5[%add3A_770, %broadcast_in_dim3A_612] : memref<512x2xi32, #tpu.memory_space<vmem>>[vector<16xi32>, vector<16xi32>], vector<16xi32>,
    %shift_left3A_773 = arith.constant 5 : i32
    %shift_left3A_774 = vector.broadcast %shift_left3A_773 : i32 to vector<16xi32>
    %shift_left3A_775 = arith.shli %gather3A_771, %shift_left3A_774 : vector<16xi32>
    %add3A_776 = arith.addi %shift_left3A_775, %gather3A_772 : vector<16xi32>
    %gather3A_777 = tpu.vector_load_idx %arg8[%add3A_776] : memref<1024xf32, #tpu.memory_space<vmem>>[vector<16xi32>], vector<16xf32>,
    %swap3A_778 = arith.constant 208 : index
    %swap3A_779 = tpu.vector_load %arg9[%swap3A_778] {strides = array<i32>} : memref<512xf32, #tpu.memory_space<vmem>>, vector<16xf32>,
    tpu.vector_store %arg9[%swap3A_778], %gather3A_777 {strides = array<i32>} : memref<512xf32, #tpu.memory_space<vmem>>, vector<16xf32>,
    %add3A_780 = arith.constant 224 : i32
    %add3A_781 = vector.broadcast %add3A_780 : i32 to vector<16xi32>
    %add3A_782 = arith.addi %iota3A, %add3A_781 : vector<16xi32>
    %gather3A_783 = tpu.vector_load_idx %arg5[%add3A_782, %broadcast_in_dim3A_610] : memref<512x2xi32, #tpu.memory_space<vmem>>[vector<16xi32>, vector<16xi32>], vector<16xi32>,
    %gather3A_784 = tpu.vector_load_idx %arg5[%add3A_782, %broadcast_in_dim3A_612] : memref<512x2xi32, #tpu.memory_space<vmem>>[vector<16xi32>, vector<16xi32>], vector<16xi32>,
    %shift_left3A_785 = arith.constant 5 : i32
    %shift_left3A_786 = vector.broadcast %shift_left3A_785 : i32 to vector<16xi32>
    %shift_left3A_787 = arith.shli %gather3A_783, %shift_left3A_786 : vector<16xi32>
    %add3A_788 = arith.addi %shift_left3A_787, %gather3A_784 : vector<16xi32>
    %gather3A_789 = tpu.vector_load_idx %arg8[%add3A_788] : memref<1024xf32, #tpu.memory_space<vmem>>[vector<16xi32>], vector<16xf32>,
    %swap3A_790 = arith.constant 224 : index
    %swap3A_791 = tpu.vector_load %arg9[%swap3A_790] {strides = array<i32>} : memref<512xf32, #tpu.memory_space<vmem>>, vector<16xf32>,
    tpu.vector_store %arg9[%swap3A_790], %gather3A_789 {strides = array<i32>} : memref<512xf32, #tpu.memory_space<vmem>>, vector<16xf32>,
    %add3A_792 = arith.constant 240 : i32
    %add3A_793 = vector.broadcast %add3A_792 : i32 to vector<16xi32>
    %add3A_794 = arith.addi %iota3A, %add3A_793 : vector<16xi32>
    %gather3A_795 = tpu.vector_load_idx %arg5[%add3A_794, %broadcast_in_dim3A_610] : memref<512x2xi32, #tpu.memory_space<vmem>>[vector<16xi32>, vector<16xi32>], vector<16xi32>,
    %gather3A_796 = tpu.vector_load_idx %arg5[%add3A_794, %broadcast_in_dim3A_612] : memref<512x2xi32, #tpu.memory_space<vmem>>[vector<16xi32>, vector<16xi32>], vector<16xi32>,
    %shift_left3A_797 = arith.constant 5 : i32
    %shift_left3A_798 = vector.broadcast %shift_left3A_797 : i32 to vector<16xi32>
    %shift_left3A_799 = arith.shli %gather3A_795, %shift_left3A_798 : vector<16xi32>
    %add3A_800 = arith.addi %shift_left3A_799, %gather3A_796 : vector<16xi32>
    %gather3A_801 = tpu.vector_load_idx %arg8[%add3A_800] : memref<1024xf32, #tpu.memory_space<vmem>>[vector<16xi32>], vector<16xf32>,
    %swap3A_802 = arith.constant 240 : index
    %swap3A_803 = tpu.vector_load %arg9[%swap3A_802] {strides = array<i32>} : memref<512xf32, #tpu.memory_space<vmem>>, vector<16xf32>,
    tpu.vector_store %arg9[%swap3A_802], %gather3A_801 {strides = array<i32>} : memref<512xf32, #tpu.memory_space<vmem>>, vector<16xf32>,
    %add3A_804 = arith.constant 256 : i32
    %add3A_805 = vector.broadcast %add3A_804 : i32 to vector<16xi32>
    %add3A_806 = arith.addi %iota3A, %add3A_805 : vector<16xi32>
    %gather3A_807 = tpu.vector_load_idx %arg5[%add3A_806, %broadcast_in_dim3A_610] : memref<512x2xi32, #tpu.memory_space<vmem>>[vector<16xi32>, vector<16xi32>], vector<16xi32>,
    %gather3A_808 = tpu.vector_load_idx %arg5[%add3A_806, %broadcast_in_dim3A_612] : memref<512x2xi32, #tpu.memory_space<vmem>>[vector<16xi32>, vector<16xi32>], vector<16xi32>,
    %shift_left3A_809 = arith.constant 5 : i32
    %shift_left3A_810 = vector.broadcast %shift_left3A_809 : i32 to vector<16xi32>
    %shift_left3A_811 = arith.shli %gather3A_807, %shift_left3A_810 : vector<16xi32>
    %add3A_812 = arith.addi %shift_left3A_811, %gather3A_808 : vector<16xi32>
    %gather3A_813 = tpu.vector_load_idx %arg8[%add3A_812] : memref<1024xf32, #tpu.memory_space<vmem>>[vector<16xi32>], vector<16xf32>,
    %swap3A_814 = arith.constant 256 : index
    %swap3A_815 = tpu.vector_load %arg9[%swap3A_814] {strides = array<i32>} : memref<512xf32, #tpu.memory_space<vmem>>, vector<16xf32>,
    tpu.vector_store %arg9[%swap3A_814], %gather3A_813 {strides = array<i32>} : memref<512xf32, #tpu.memory_space<vmem>>, vector<16xf32>,
    %add3A_816 = arith.constant 272 : i32
    %add3A_817 = vector.broadcast %add3A_816 : i32 to vector<16xi32>
    %add3A_818 = arith.addi %iota3A, %add3A_817 : vector<16xi32>
    %gather3A_819 = tpu.vector_load_idx %arg5[%add3A_818, %broadcast_in_dim3A_610] : memref<512x2xi32, #tpu.memory_space<vmem>>[vector<16xi32>, vector<16xi32>], vector<16xi32>,
    %gather3A_820 = tpu.vector_load_idx %arg5[%add3A_818, %broadcast_in_dim3A_612] : memref<512x2xi32, #tpu.memory_space<vmem>>[vector<16xi32>, vector<16xi32>], vector<16xi32>,
    %shift_left3A_821 = arith.constant 5 : i32
    %shift_left3A_822 = vector.broadcast %shift_left3A_821 : i32 to vector<16xi32>
    %shift_left3A_823 = arith.shli %gather3A_819, %shift_left3A_822 : vector<16xi32>
    %add3A_824 = arith.addi %shift_left3A_823, %gather3A_820 : vector<16xi32>
    %gather3A_825 = tpu.vector_load_idx %arg8[%add3A_824] : memref<1024xf32, #tpu.memory_space<vmem>>[vector<16xi32>], vector<16xf32>,
    %swap3A_826 = arith.constant 272 : index
    %swap3A_827 = tpu.vector_load %arg9[%swap3A_826] {strides = array<i32>} : memref<512xf32, #tpu.memory_space<vmem>>, vector<16xf32>,
    tpu.vector_store %arg9[%swap3A_826], %gather3A_825 {strides = array<i32>} : memref<512xf32, #tpu.memory_space<vmem>>, vector<16xf32>,
    %add3A_828 = arith.constant 288 : i32
    %add3A_829 = vector.broadcast %add3A_828 : i32 to vector<16xi32>
    %add3A_830 = arith.addi %iota3A, %add3A_829 : vector<16xi32>
    %gather3A_831 = tpu.vector_load_idx %arg5[%add3A_830, %broadcast_in_dim3A_610] : memref<512x2xi32, #tpu.memory_space<vmem>>[vector<16xi32>, vector<16xi32>], vector<16xi32>,
    %gather3A_832 = tpu.vector_load_idx %arg5[%add3A_830, %broadcast_in_dim3A_612] : memref<512x2xi32, #tpu.memory_space<vmem>>[vector<16xi32>, vector<16xi32>], vector<16xi32>,
    %shift_left3A_833 = arith.constant 5 : i32
    %shift_left3A_834 = vector.broadcast %shift_left3A_833 : i32 to vector<16xi32>
    %shift_left3A_835 = arith.shli %gather3A_831, %shift_left3A_834 : vector<16xi32>
    %add3A_836 = arith.addi %shift_left3A_835, %gather3A_832 : vector<16xi32>
    %gather3A_837 = tpu.vector_load_idx %arg8[%add3A_836] : memref<1024xf32, #tpu.memory_space<vmem>>[vector<16xi32>], vector<16xf32>,
    %swap3A_838 = arith.constant 288 : index
    %swap3A_839 = tpu.vector_load %arg9[%swap3A_838] {strides = array<i32>} : memref<512xf32, #tpu.memory_space<vmem>>, vector<16xf32>,
    tpu.vector_store %arg9[%swap3A_838], %gather3A_837 {strides = array<i32>} : memref<512xf32, #tpu.memory_space<vmem>>, vector<16xf32>,
    %add3A_840 = arith.constant 304 : i32
    %add3A_841 = vector.broadcast %add3A_840 : i32 to vector<16xi32>
    %add3A_842 = arith.addi %iota3A, %add3A_841 : vector<16xi32>
    %gather3A_843 = tpu.vector_load_idx %arg5[%add3A_842, %broadcast_in_dim3A_610] : memref<512x2xi32, #tpu.memory_space<vmem>>[vector<16xi32>, vector<16xi32>], vector<16xi32>,
    %gather3A_844 = tpu.vector_load_idx %arg5[%add3A_842, %broadcast_in_dim3A_612] : memref<512x2xi32, #tpu.memory_space<vmem>>[vector<16xi32>, vector<16xi32>], vector<16xi32>,
    %shift_left3A_845 = arith.constant 5 : i32
    %shift_left3A_846 = vector.broadcast %shift_left3A_845 : i32 to vector<16xi32>
    %shift_left3A_847 = arith.shli %gather3A_843, %shift_left3A_846 : vector<16xi32>
    %add3A_848 = arith.addi %shift_left3A_847, %gather3A_844 : vector<16xi32>
    %gather3A_849 = tpu.vector_load_idx %arg8[%add3A_848] : memref<1024xf32, #tpu.memory_space<vmem>>[vector<16xi32>], vector<16xf32>,
    %swap3A_850 = arith.constant 304 : index
    %swap3A_851 = tpu.vector_load %arg9[%swap3A_850] {strides = array<i32>} : memref<512xf32, #tpu.memory_space<vmem>>, vector<16xf32>,
    tpu.vector_store %arg9[%swap3A_850], %gather3A_849 {strides = array<i32>} : memref<512xf32, #tpu.memory_space<vmem>>, vector<16xf32>,
    %add3A_852 = arith.constant 320 : i32
    %add3A_853 = vector.broadcast %add3A_852 : i32 to vector<16xi32>
    %add3A_854 = arith.addi %iota3A, %add3A_853 : vector<16xi32>
    %gather3A_855 = tpu.vector_load_idx %arg5[%add3A_854, %broadcast_in_dim3A_610] : memref<512x2xi32, #tpu.memory_space<vmem>>[vector<16xi32>, vector<16xi32>], vector<16xi32>,
    %gather3A_856 = tpu.vector_load_idx %arg5[%add3A_854, %broadcast_in_dim3A_612] : memref<512x2xi32, #tpu.memory_space<vmem>>[vector<16xi32>, vector<16xi32>], vector<16xi32>,
    %shift_left3A_857 = arith.constant 5 : i32
    %shift_left3A_858 = vector.broadcast %shift_left3A_857 : i32 to vector<16xi32>
    %shift_left3A_859 = arith.shli %gather3A_855, %shift_left3A_858 : vector<16xi32>
    %add3A_860 = arith.addi %shift_left3A_859, %gather3A_856 : vector<16xi32>
    %gather3A_861 = tpu.vector_load_idx %arg8[%add3A_860] : memref<1024xf32, #tpu.memory_space<vmem>>[vector<16xi32>], vector<16xf32>,
    %swap3A_862 = arith.constant 320 : index
    %swap3A_863 = tpu.vector_load %arg9[%swap3A_862] {strides = array<i32>} : memref<512xf32, #tpu.memory_space<vmem>>, vector<16xf32>,
    tpu.vector_store %arg9[%swap3A_862], %gather3A_861 {strides = array<i32>} : memref<512xf32, #tpu.memory_space<vmem>>, vector<16xf32>,
    %add3A_864 = arith.constant 336 : i32
    %add3A_865 = vector.broadcast %add3A_864 : i32 to vector<16xi32>
    %add3A_866 = arith.addi %iota3A, %add3A_865 : vector<16xi32>
    %gather3A_867 = tpu.vector_load_idx %arg5[%add3A_866, %broadcast_in_dim3A_610] : memref<512x2xi32, #tpu.memory_space<vmem>>[vector<16xi32>, vector<16xi32>], vector<16xi32>,
    %gather3A_868 = tpu.vector_load_idx %arg5[%add3A_866, %broadcast_in_dim3A_612] : memref<512x2xi32, #tpu.memory_space<vmem>>[vector<16xi32>, vector<16xi32>], vector<16xi32>,
    %shift_left3A_869 = arith.constant 5 : i32
    %shift_left3A_870 = vector.broadcast %shift_left3A_869 : i32 to vector<16xi32>
    %shift_left3A_871 = arith.shli %gather3A_867, %shift_left3A_870 : vector<16xi32>
    %add3A_872 = arith.addi %shift_left3A_871, %gather3A_868 : vector<16xi32>
    %gather3A_873 = tpu.vector_load_idx %arg8[%add3A_872] : memref<1024xf32, #tpu.memory_space<vmem>>[vector<16xi32>], vector<16xf32>,
    %swap3A_874 = arith.constant 336 : index
    %swap3A_875 = tpu.vector_load %arg9[%swap3A_874] {strides = array<i32>} : memref<512xf32, #tpu.memory_space<vmem>>, vector<16xf32>,
    tpu.vector_store %arg9[%swap3A_874], %gather3A_873 {strides = array<i32>} : memref<512xf32, #tpu.memory_space<vmem>>, vector<16xf32>,
    %add3A_876 = arith.constant 352 : i32
    %add3A_877 = vector.broadcast %add3A_876 : i32 to vector<16xi32>
    %add3A_878 = arith.addi %iota3A, %add3A_877 : vector<16xi32>
    %gather3A_879 = tpu.vector_load_idx %arg5[%add3A_878, %broadcast_in_dim3A_610] : memref<512x2xi32, #tpu.memory_space<vmem>>[vector<16xi32>, vector<16xi32>], vector<16xi32>,
    %gather3A_880 = tpu.vector_load_idx %arg5[%add3A_878, %broadcast_in_dim3A_612] : memref<512x2xi32, #tpu.memory_space<vmem>>[vector<16xi32>, vector<16xi32>], vector<16xi32>,
    %shift_left3A_881 = arith.constant 5 : i32
    %shift_left3A_882 = vector.broadcast %shift_left3A_881 : i32 to vector<16xi32>
    %shift_left3A_883 = arith.shli %gather3A_879, %shift_left3A_882 : vector<16xi32>
    %add3A_884 = arith.addi %shift_left3A_883, %gather3A_880 : vector<16xi32>
    %gather3A_885 = tpu.vector_load_idx %arg8[%add3A_884] : memref<1024xf32, #tpu.memory_space<vmem>>[vector<16xi32>], vector<16xf32>,
    %swap3A_886 = arith.constant 352 : index
    %swap3A_887 = tpu.vector_load %arg9[%swap3A_886] {strides = array<i32>} : memref<512xf32, #tpu.memory_space<vmem>>, vector<16xf32>,
    tpu.vector_store %arg9[%swap3A_886], %gather3A_885 {strides = array<i32>} : memref<512xf32, #tpu.memory_space<vmem>>, vector<16xf32>,
    %add3A_888 = arith.constant 368 : i32
    %add3A_889 = vector.broadcast %add3A_888 : i32 to vector<16xi32>
    %add3A_890 = arith.addi %iota3A, %add3A_889 : vector<16xi32>
    %gather3A_891 = tpu.vector_load_idx %arg5[%add3A_890, %broadcast_in_dim3A_610] : memref<512x2xi32, #tpu.memory_space<vmem>>[vector<16xi32>, vector<16xi32>], vector<16xi32>,
    %gather3A_892 = tpu.vector_load_idx %arg5[%add3A_890, %broadcast_in_dim3A_612] : memref<512x2xi32, #tpu.memory_space<vmem>>[vector<16xi32>, vector<16xi32>], vector<16xi32>,
    %shift_left3A_893 = arith.constant 5 : i32
    %shift_left3A_894 = vector.broadcast %shift_left3A_893 : i32 to vector<16xi32>
    %shift_left3A_895 = arith.shli %gather3A_891, %shift_left3A_894 : vector<16xi32>
    %add3A_896 = arith.addi %shift_left3A_895, %gather3A_892 : vector<16xi32>
    %gather3A_897 = tpu.vector_load_idx %arg8[%add3A_896] : memref<1024xf32, #tpu.memory_space<vmem>>[vector<16xi32>], vector<16xf32>,
    %swap3A_898 = arith.constant 368 : index
    %swap3A_899 = tpu.vector_load %arg9[%swap3A_898] {strides = array<i32>} : memref<512xf32, #tpu.memory_space<vmem>>, vector<16xf32>,
    tpu.vector_store %arg9[%swap3A_898], %gather3A_897 {strides = array<i32>} : memref<512xf32, #tpu.memory_space<vmem>>, vector<16xf32>,
    %add3A_900 = arith.constant 384 : i32
    %add3A_901 = vector.broadcast %add3A_900 : i32 to vector<16xi32>
    %add3A_902 = arith.addi %iota3A, %add3A_901 : vector<16xi32>
    %gather3A_903 = tpu.vector_load_idx %arg5[%add3A_902, %broadcast_in_dim3A_610] : memref<512x2xi32, #tpu.memory_space<vmem>>[vector<16xi32>, vector<16xi32>], vector<16xi32>,
    %gather3A_904 = tpu.vector_load_idx %arg5[%add3A_902, %broadcast_in_dim3A_612] : memref<512x2xi32, #tpu.memory_space<vmem>>[vector<16xi32>, vector<16xi32>], vector<16xi32>,
    %shift_left3A_905 = arith.constant 5 : i32
    %shift_left3A_906 = vector.broadcast %shift_left3A_905 : i32 to vector<16xi32>
    %shift_left3A_907 = arith.shli %gather3A_903, %shift_left3A_906 : vector<16xi32>
    %add3A_908 = arith.addi %shift_left3A_907, %gather3A_904 : vector<16xi32>
    %gather3A_909 = tpu.vector_load_idx %arg8[%add3A_908] : memref<1024xf32, #tpu.memory_space<vmem>>[vector<16xi32>], vector<16xf32>,
    %swap3A_910 = arith.constant 384 : index
    %swap3A_911 = tpu.vector_load %arg9[%swap3A_910] {strides = array<i32>} : memref<512xf32, #tpu.memory_space<vmem>>, vector<16xf32>,
    tpu.vector_store %arg9[%swap3A_910], %gather3A_909 {strides = array<i32>} : memref<512xf32, #tpu.memory_space<vmem>>, vector<16xf32>,
    %add3A_912 = arith.constant 400 : i32
    %add3A_913 = vector.broadcast %add3A_912 : i32 to vector<16xi32>
    %add3A_914 = arith.addi %iota3A, %add3A_913 : vector<16xi32>
    %gather3A_915 = tpu.vector_load_idx %arg5[%add3A_914, %broadcast_in_dim3A_610] : memref<512x2xi32, #tpu.memory_space<vmem>>[vector<16xi32>, vector<16xi32>], vector<16xi32>,
    %gather3A_916 = tpu.vector_load_idx %arg5[%add3A_914, %broadcast_in_dim3A_612] : memref<512x2xi32, #tpu.memory_space<vmem>>[vector<16xi32>, vector<16xi32>], vector<16xi32>,
    %shift_left3A_917 = arith.constant 5 : i32
    %shift_left3A_918 = vector.broadcast %shift_left3A_917 : i32 to vector<16xi32>
    %shift_left3A_919 = arith.shli %gather3A_915, %shift_left3A_918 : vector<16xi32>
    %add3A_920 = arith.addi %shift_left3A_919, %gather3A_916 : vector<16xi32>
    %gather3A_921 = tpu.vector_load_idx %arg8[%add3A_920] : memref<1024xf32, #tpu.memory_space<vmem>>[vector<16xi32>], vector<16xf32>,
    %swap3A_922 = arith.constant 400 : index
    %swap3A_923 = tpu.vector_load %arg9[%swap3A_922] {strides = array<i32>} : memref<512xf32, #tpu.memory_space<vmem>>, vector<16xf32>,
    tpu.vector_store %arg9[%swap3A_922], %gather3A_921 {strides = array<i32>} : memref<512xf32, #tpu.memory_space<vmem>>, vector<16xf32>,
    %add3A_924 = arith.constant 416 : i32
    %add3A_925 = vector.broadcast %add3A_924 : i32 to vector<16xi32>
    %add3A_926 = arith.addi %iota3A, %add3A_925 : vector<16xi32>
    %gather3A_927 = tpu.vector_load_idx %arg5[%add3A_926, %broadcast_in_dim3A_610] : memref<512x2xi32, #tpu.memory_space<vmem>>[vector<16xi32>, vector<16xi32>], vector<16xi32>,
    %gather3A_928 = tpu.vector_load_idx %arg5[%add3A_926, %broadcast_in_dim3A_612] : memref<512x2xi32, #tpu.memory_space<vmem>>[vector<16xi32>, vector<16xi32>], vector<16xi32>,
    %shift_left3A_929 = arith.constant 5 : i32
    %shift_left3A_930 = vector.broadcast %shift_left3A_929 : i32 to vector<16xi32>
    %shift_left3A_931 = arith.shli %gather3A_927, %shift_left3A_930 : vector<16xi32>
    %add3A_932 = arith.addi %shift_left3A_931, %gather3A_928 : vector<16xi32>
    %gather3A_933 = tpu.vector_load_idx %arg8[%add3A_932] : memref<1024xf32, #tpu.memory_space<vmem>>[vector<16xi32>], vector<16xf32>,
    %swap3A_934 = arith.constant 416 : index
    %swap3A_935 = tpu.vector_load %arg9[%swap3A_934] {strides = array<i32>} : memref<512xf32, #tpu.memory_space<vmem>>, vector<16xf32>,
    tpu.vector_store %arg9[%swap3A_934], %gather3A_933 {strides = array<i32>} : memref<512xf32, #tpu.memory_space<vmem>>, vector<16xf32>,
    %add3A_936 = arith.constant 432 : i32
    %add3A_937 = vector.broadcast %add3A_936 : i32 to vector<16xi32>
    %add3A_938 = arith.addi %iota3A, %add3A_937 : vector<16xi32>
    %gather3A_939 = tpu.vector_load_idx %arg5[%add3A_938, %broadcast_in_dim3A_610] : memref<512x2xi32, #tpu.memory_space<vmem>>[vector<16xi32>, vector<16xi32>], vector<16xi32>,
    %gather3A_940 = tpu.vector_load_idx %arg5[%add3A_938, %broadcast_in_dim3A_612] : memref<512x2xi32, #tpu.memory_space<vmem>>[vector<16xi32>, vector<16xi32>], vector<16xi32>,
    %shift_left3A_941 = arith.constant 5 : i32
    %shift_left3A_942 = vector.broadcast %shift_left3A_941 : i32 to vector<16xi32>
    %shift_left3A_943 = arith.shli %gather3A_939, %shift_left3A_942 : vector<16xi32>
    %add3A_944 = arith.addi %shift_left3A_943, %gather3A_940 : vector<16xi32>
    %gather3A_945 = tpu.vector_load_idx %arg8[%add3A_944] : memref<1024xf32, #tpu.memory_space<vmem>>[vector<16xi32>], vector<16xf32>,
    %swap3A_946 = arith.constant 432 : index
    %swap3A_947 = tpu.vector_load %arg9[%swap3A_946] {strides = array<i32>} : memref<512xf32, #tpu.memory_space<vmem>>, vector<16xf32>,
    tpu.vector_store %arg9[%swap3A_946], %gather3A_945 {strides = array<i32>} : memref<512xf32, #tpu.memory_space<vmem>>, vector<16xf32>,
    %add3A_948 = arith.constant 448 : i32
    %add3A_949 = vector.broadcast %add3A_948 : i32 to vector<16xi32>
    %add3A_950 = arith.addi %iota3A, %add3A_949 : vector<16xi32>
    %gather3A_951 = tpu.vector_load_idx %arg5[%add3A_950, %broadcast_in_dim3A_610] : memref<512x2xi32, #tpu.memory_space<vmem>>[vector<16xi32>, vector<16xi32>], vector<16xi32>,
    %gather3A_952 = tpu.vector_load_idx %arg5[%add3A_950, %broadcast_in_dim3A_612] : memref<512x2xi32, #tpu.memory_space<vmem>>[vector<16xi32>, vector<16xi32>], vector<16xi32>,
    %shift_left3A_953 = arith.constant 5 : i32
    %shift_left3A_954 = vector.broadcast %shift_left3A_953 : i32 to vector<16xi32>
    %shift_left3A_955 = arith.shli %gather3A_951, %shift_left3A_954 : vector<16xi32>
    %add3A_956 = arith.addi %shift_left3A_955, %gather3A_952 : vector<16xi32>
    %gather3A_957 = tpu.vector_load_idx %arg8[%add3A_956] : memref<1024xf32, #tpu.memory_space<vmem>>[vector<16xi32>], vector<16xf32>,
    %swap3A_958 = arith.constant 448 : index
    %swap3A_959 = tpu.vector_load %arg9[%swap3A_958] {strides = array<i32>} : memref<512xf32, #tpu.memory_space<vmem>>, vector<16xf32>,
    tpu.vector_store %arg9[%swap3A_958], %gather3A_957 {strides = array<i32>} : memref<512xf32, #tpu.memory_space<vmem>>, vector<16xf32>,
    %add3A_960 = arith.constant 464 : i32
    %add3A_961 = vector.broadcast %add3A_960 : i32 to vector<16xi32>
    %add3A_962 = arith.addi %iota3A, %add3A_961 : vector<16xi32>
    %gather3A_963 = tpu.vector_load_idx %arg5[%add3A_962, %broadcast_in_dim3A_610] : memref<512x2xi32, #tpu.memory_space<vmem>>[vector<16xi32>, vector<16xi32>], vector<16xi32>,
    %gather3A_964 = tpu.vector_load_idx %arg5[%add3A_962, %broadcast_in_dim3A_612] : memref<512x2xi32, #tpu.memory_space<vmem>>[vector<16xi32>, vector<16xi32>], vector<16xi32>,
    %shift_left3A_965 = arith.constant 5 : i32
    %shift_left3A_966 = vector.broadcast %shift_left3A_965 : i32 to vector<16xi32>
    %shift_left3A_967 = arith.shli %gather3A_963, %shift_left3A_966 : vector<16xi32>
    %add3A_968 = arith.addi %shift_left3A_967, %gather3A_964 : vector<16xi32>
    %gather3A_969 = tpu.vector_load_idx %arg8[%add3A_968] : memref<1024xf32, #tpu.memory_space<vmem>>[vector<16xi32>], vector<16xf32>,
    %swap3A_970 = arith.constant 464 : index
    %swap3A_971 = tpu.vector_load %arg9[%swap3A_970] {strides = array<i32>} : memref<512xf32, #tpu.memory_space<vmem>>, vector<16xf32>,
    tpu.vector_store %arg9[%swap3A_970], %gather3A_969 {strides = array<i32>} : memref<512xf32, #tpu.memory_space<vmem>>, vector<16xf32>,
    %add3A_972 = arith.constant 480 : i32
    %add3A_973 = vector.broadcast %add3A_972 : i32 to vector<16xi32>
    %add3A_974 = arith.addi %iota3A, %add3A_973 : vector<16xi32>
    %gather3A_975 = tpu.vector_load_idx %arg5[%add3A_974, %broadcast_in_dim3A_610] : memref<512x2xi32, #tpu.memory_space<vmem>>[vector<16xi32>, vector<16xi32>], vector<16xi32>,
    %gather3A_976 = tpu.vector_load_idx %arg5[%add3A_974, %broadcast_in_dim3A_612] : memref<512x2xi32, #tpu.memory_space<vmem>>[vector<16xi32>, vector<16xi32>], vector<16xi32>,
    %shift_left3A_977 = arith.constant 5 : i32
    %shift_left3A_978 = vector.broadcast %shift_left3A_977 : i32 to vector<16xi32>
    %shift_left3A_979 = arith.shli %gather3A_975, %shift_left3A_978 : vector<16xi32>
    %add3A_980 = arith.addi %shift_left3A_979, %gather3A_976 : vector<16xi32>
    %gather3A_981 = tpu.vector_load_idx %arg8[%add3A_980] : memref<1024xf32, #tpu.memory_space<vmem>>[vector<16xi32>], vector<16xf32>,
    %swap3A_982 = arith.constant 480 : index
    %swap3A_983 = tpu.vector_load %arg9[%swap3A_982] {strides = array<i32>} : memref<512xf32, #tpu.memory_space<vmem>>, vector<16xf32>,
    tpu.vector_store %arg9[%swap3A_982], %gather3A_981 {strides = array<i32>} : memref<512xf32, #tpu.memory_space<vmem>>, vector<16xf32>,
    %add3A_984 = arith.constant 496 : i32
    %add3A_985 = vector.broadcast %add3A_984 : i32 to vector<16xi32>
    %add3A_986 = arith.addi %iota3A, %add3A_985 : vector<16xi32>
    %gather3A_987 = tpu.vector_load_idx %arg5[%add3A_986, %broadcast_in_dim3A_610] : memref<512x2xi32, #tpu.memory_space<vmem>>[vector<16xi32>, vector<16xi32>], vector<16xi32>,
    %gather3A_988 = tpu.vector_load_idx %arg5[%add3A_986, %broadcast_in_dim3A_612] : memref<512x2xi32, #tpu.memory_space<vmem>>[vector<16xi32>, vector<16xi32>], vector<16xi32>,
    %shift_left3A_989 = arith.constant 5 : i32
    %shift_left3A_990 = vector.broadcast %shift_left3A_989 : i32 to vector<16xi32>
    %shift_left3A_991 = arith.shli %gather3A_987, %shift_left3A_990 : vector<16xi32>
    %add3A_992 = arith.addi %shift_left3A_991, %gather3A_988 : vector<16xi32>
    %gather3A_993 = tpu.vector_load_idx %arg8[%add3A_992] : memref<1024xf32, #tpu.memory_space<vmem>>[vector<16xi32>], vector<16xf32>,
    %swap3A_994 = arith.constant 496 : index
    %swap3A_995 = tpu.vector_load %arg9[%swap3A_994] {strides = array<i32>} : memref<512xf32, #tpu.memory_space<vmem>>, vector<16xf32>,
    tpu.vector_store %arg9[%swap3A_994], %gather3A_993 {strides = array<i32>} : memref<512xf32, #tpu.memory_space<vmem>>, vector<16xf32>,
    "tpu.region"() ({
      %run_scoped3A = tpu.sem_alloc : memref<!tpu.dma_semaphore, #tpu.memory_space<semaphore_mem>>
      %dma_start3A_996 = tpu.memref_slice %arg4[%mul3A_2] : memref<16384xf32, #tpu.memory_space<hbm>> -> memref<512xf32, #tpu.memory_space<hbm>>
      %dma_start3A_997 = tpu.memref_slice %arg4[%mul3A_2] : memref<16384xf32, #tpu.memory_space<hbm>> -> memref<512xf32, #tpu.memory_space<hbm>>
      tpu.enqueue_dma source(%arg9 : memref<512xf32, #tpu.memory_space<vmem>>) target(%dma_start3A_997 : memref<512xf32, #tpu.memory_space<hbm>>) target_semaphore(%run_scoped3A : memref<!tpu.dma_semaphore, #tpu.memory_space<semaphore_mem>>)
      %dma_wait3A_998 = tpu.memref_slice %arg4[%mul3A_2] : memref<16384xf32, #tpu.memory_space<hbm>> -> memref<512xf32, #tpu.memory_space<hbm>>
      %dma_wait3A_999 = tpu.memref_slice %arg4[%mul3A_2] : memref<16384xf32, #tpu.memory_space<hbm>> -> memref<512xf32, #tpu.memory_space<hbm>>
      tpu.wait_dma2 semaphore(%run_scoped3A : memref<!tpu.dma_semaphore, #tpu.memory_space<semaphore_mem>>) src(%arg9 : memref<512xf32, #tpu.memory_space<vmem>>) dst(%dma_wait3A_999 : memref<512xf32, #tpu.memory_space<hbm>>)
      tpu.yield
    }) : () -> ()
    return
  }
}

</mosaic_0001>

<sc_bundles>
// kernel: kernel.3.cloned.1.call-start
scs
__scs_entry_jumppad:
0x0: {  	(pc) =	sbr.rel $0x88, $3  }
0x1: {  	(tag) =	ssettag $0x0;
	lr =	simm.s32 $0x1  }
0x2: {  	[smem:$0x3F9B] =	sst lr;
	_ =	strace $0xD0000000  }
0x3: {  	_ = 	snop  }
0x4: {  	_ = 	snop  }
0x5: {  	_ = 	snop  }
0x6: {  	_ = 	snop  }
0x7: {  	_ = 	snop  }
__scs_overlays_trampoline_lowered:
0x8: {  	[smem:$0x3FAA] =	sst s0  }
0x9: {  	[smem:$0x3FAB] =	sst s1  }
0xa: {  	[smem:$0x3FAC] =	sst s2  }
0xb: {  	[smem:$0x3FAD] =	sst s3  }
0xc: {  	[smem:$0x3FAE] =	sst s4  }
0xd: {  	[smem:$0x3FAF] =	sst s5  }
0xe: {  	[smem:$0x3FB0] =	sst s6  }
0xf: {  	[smem:$0x3FB1] =	sst s7  }
0x10: {  	[smem:$0x3FB2] =	sst s8  }
0x11: {  	[smem:$0x3FB3] =	sst s9;
	s0 =	simm.s32 @!p0 $0x0  }
0x12: {  	s1 =	sld [smem:$0x3F99];
	s0 =	simm.s32 @p0 $0x1  }
0x13: {  	[smem:$0x3FB4] =	sst s0;
	s0 =	simm.s32 @!p1 $0x0  }
0x14: {  	s2 =	sld [smem:$0x3F98];
	s0 =	simm.s32 @p1 $0x1  }
0x15: {  	[smem:$0x3FB5] =	sst s0;
	s0 =	simm.s32 @!p2 $0x0  }
0x16: {  	s3 =	sld [smem:$0x3FDB];
	s0 =	simm.s32 @p2 $0x1  }
0x17: {  	s4 =	simm.s32 $0x1BF5;
	[smem:$0x3FB7] =	sst s0  }
0x18: {  	s0 =	sld [smem:$0x3F9A];
	_ =	swait.ge [sflag:s4], $0x0  }
0x19: {  	s7 =	sld [smem:$0x3F9B]  }
0x1a: {  	s8 =	sadd.s32 $0xFFFFE003, lr  }
0x1b: {  	s9 =	sadd.s32 $0xFFFFFEF7, lr;
	s5 =	simm.s32 $0xFFFFFFFF;
	p2 =	slt.u32 s8, $0xFFFFF086  }
0x1c: {  	p1 =	slt.u32 s9, $0xF7A;
	s5 =	simm.s32 @!p2 $0x0  }
0x1d: {  	s5 =	simm.s32 @p1 $0x1;
	p0 =	seq.s32 s7, s2  }
0x1e: {  	s7 =	smul.u32 @!p0 $0xF7A, s2;
	p2 =	seq.s32 @!p0 s5, $0x0  }
0x1f: {  	s9 =	smul.u32 $0xF7A, s1;
	s8 =	simm.s32 @!p0 $0x1BF5;
	p2 =	por !p2, p0  }
0x20: {  	[sflag:s8] =	ssyncset.s32 @!p0 $0xFFFFF086;
	s6 =	sadd.s32 @!p0 s3, s7;
	s7 =	simm.s32 @!p0 $0x108  }
0x21: {  	s3 =	sadd.s32 s3, s9;
	s6 =	sadd.s32 @!p0 $0x88, s6;
	s7 =	simm.s32 @p2 $0x1082  }
0x22: {  	[simem:s7], [sflag:s8] =	dma.local @!p0 [hbm:s6], $0xF7A  }
0x23: {  	s9 =	sor.u32 $0xD0000000, s2;
	s6 =	simm.s32 $0x108;
	_ =	swait.ge @!p0 [sflag:s8], $0x0  }
0x24: {  	s3 =	sadd.s32 $0x88, s3;
	s6 =	simm.s32 @!p1 $0x1082;
	[sflag:s4] =	ssyncset.s32 $0xFFFFF086  }
0x25: {  	[simem:s6], [sflag:s4] =	dma.local [hbm:s3], $0xF7A  }
0x26: {  	[smem:$0x3F9B] =	sst s1;
	(tag) =	ssettag s2;
	_ =	strace s9  }
0x27: {  	s1 =	sld [smem:$0x3FAB]  }
0x28: {  	s2 =	sld [smem:$0x3FAC]  }
0x29: {  	s4 =	sld [smem:$0x3FAE]  }
0x2a: {  	p0 =	seq.s32 s5, $0x0;
	s5 =	sld [smem:$0x3FAF]  }
0x2b: {  	s6 =	sld [smem:$0x3FB0]  }
0x2c: {  	s7 =	sld [smem:$0x3FB1]  }
0x2d: {  	s3 =	simm.s32 $0x108;
	s8 =	sld [smem:$0x3FB2]  }
0x2e: {  	s3 =	simm.s32 @!p0 $0x1082;
	s9 =	sld [smem:$0x3FB3]  }
0x2f: {  	lr =	sadd.s32 s0, s3;
	s0 =	sld [smem:$0x3FAA]  }
0x30: {  	s3 =	sld [smem:$0x3FAD]  }
0x31: {  	[smem:$0x3FB6] =	sst s10  }
0x32: {  	s10 =	sld [smem:$0x3FB4];
	_ =	sdelay $0x3  }
0x33: {  	p0 =	seq.s32 s10, $0x1;
	s10 =	sld [smem:$0x3FB6];
	_ =	sdelay $0x3  }
0x34: {  	[smem:$0x3FB6] =	sst s10  }
0x35: {  	s10 =	sld [smem:$0x3FB5];
	_ =	sdelay $0x3  }
0x36: {  	p1 =	seq.s32 s10, $0x1;
	s10 =	sld [smem:$0x3FB6];
	_ =	sdelay $0x3  }
0x37: {  	[smem:$0x3FB6] =	sst s10  }
0x38: {  	s10 =	sld [smem:$0x3FB7]  }
0x39: {  	_ = 	snop;
	(pc) =	sbr.ind lr, $3  }
0x3a: {  	_ = 	snop  }
0x3b: {  	_ = 	snop  }
0x3c: {  	p2 =	seq.s32 s10, $0x1;
	s10 =	sld [smem:$0x3FB6]  }
0x3d: {  	_ =	shalt  }
0x3e: {  	_ =	shalt  }
0x3f: {  	_ =	shalt  }
0x40: {  	_ =	shalt  }
0x41: {  	_ =	shalt  }
0x42: {  	_ =	shalt  }
0x43: {  	_ =	shalt  }
0x44: {  	_ =	shalt  }
0x45: {  	_ =	shalt  }
0x46: {  	_ =	shalt  }
0x47: {  	_ =	shalt  }
0x48: {  	_ =	shalt  }
0x49: {  	_ =	shalt  }
0x4a: {  	_ =	shalt  }
0x4b: {  	_ =	shalt  }
0x4c: {  	_ =	shalt  }
0x4d: {  	_ =	shalt  }
0x4e: {  	_ =	shalt  }
0x4f: {  	_ =	shalt  }
0x50: {  	_ =	shalt  }
0x51: {  	_ =	shalt  }
0x52: {  	_ =	shalt  }
0x53: {  	_ =	shalt  }
0x54: {  	_ =	shalt  }
0x55: {  	_ =	shalt  }
0x56: {  	_ =	shalt  }
0x57: {  	_ =	shalt  }
0x58: {  	_ =	shalt  }
0x59: {  	_ =	shalt  }
0x5a: {  	_ =	shalt  }
0x5b: {  	_ =	shalt  }
0x5c: {  	_ =	shalt  }
0x5d: {  	_ =	shalt  }
0x5e: {  	_ =	shalt  }
0x5f: {  	_ =	shalt  }
0x60: {  	_ =	shalt  }
0x61: {  	_ =	shalt  }
0x62: {  	_ =	shalt  }
0x63: {  	_ =	shalt  }
0x64: {  	_ =	shalt  }
0x65: {  	_ =	shalt  }
0x66: {  	_ =	shalt  }
0x67: {  	_ =	shalt  }
0x68: {  	_ =	shalt  }
0x69: {  	_ =	shalt  }
0x6a: {  	_ =	shalt  }
0x6b: {  	_ =	shalt  }
0x6c: {  	_ =	shalt  }
0x6d: {  	_ =	shalt  }
0x6e: {  	_ =	shalt  }
0x6f: {  	_ =	shalt  }
0x70: {  	_ =	shalt  }
0x71: {  	_ =	shalt  }
0x72: {  	_ =	shalt  }
0x73: {  	_ =	shalt  }
0x74: {  	_ =	shalt  }
0x75: {  	_ =	shalt  }
0x76: {  	_ =	shalt  }
0x77: {  	_ =	shalt  }
0x78: {  	_ =	shalt  }
0x79: {  	_ =	shalt  }
0x7a: {  	_ =	shalt  }
0x7b: {  	_ =	shalt  }
0x7c: {  	_ =	shalt  }
0x7d: {  	_ =	shalt  }
0x7e: {  	_ =	shalt  }
0x7f: {  	_ =	shalt  }
0x80: {  	_ =	shalt  }
0x81: {  	_ =	shalt  }
0x82: {  	_ =	shalt  }
0x83: {  	_ =	shalt  }
0x84: {  	_ =	shalt  }
0x85: {  	_ =	shalt  }
0x86: {  	_ =	shalt  }
0x87: {  	_ =	shalt  }
.Lfunc_end0:
.L_simem_size_0:
called_computation_lowered:
.L_overlay_start_0:
0x88: {  	s2 =	sld [smem:$0x3FD9]  }
0x89: {  	s3 =	sld [smem:$0x3FFE];
	_ =	sdelay $0x1  }
0x8a: {  	s1 =	srdreg.scid  }
0x8b: {  	s0 =	sand.u32 $0x1, s1  }
0x8c: {  	s17 =	sshll.u32 s0, $0xA;
	s2 =	sadd.s32 s3, s2  }
0x8d: {  	s2 =	sadd.s32 s2, s17  }
0x8e: {  	[smem:$0x3FC2] =	sst s2  }
0x8f: {  	_ = 	snop  }
0x90: {  	s2 =	sld [smem:$0x3FD0];
	(tm) =	ssettm $0x1  }
0x91: {  	s18 =	sld [smem:$0x3FFB];
	_ =	sdelay $0x3  }
0x92: {  	_ =	strace s18  }
0x93: {  	s3 =	sld [smem:$0x3FFC];
	_ =	sdelay $0x3  }
0x94: {  	_ =	strace s3  }
0x95: {  	s3 =	sld [smem:$0x3FFD];
	_ =	sdelay $0x3  }
0x96: {  	_ =	strace s3  }
0x97: {  	_ =	strace $0x8FFFFFFF  }
0x98: {  	s19 =	sld [smem:$0x3FDB];
	_ =	sdelay $0x1  }
0x99: {  	s4 =	simm.s32 $_scs_section_size  }
0x9a: {  	s5 =	simm.s32 $_size__tile_overlayer_lowered;
	s6 =	simm.s32 $_tile_overlayer_lowered  }
0x9b: {  	s22 =	simm.s32 $0x1BFF;
	s21 =	sshll.u32 s6, $0x1;
	s3 =	sadd.s32 s4, s19  }
0x9c: {  	s7 =	simm.s32 $0x0;
	s20 =	sshll.u32 s5, $0x1;
	s5 =	sadd.s32 s21, s3  }
0x9d: {  	[timem:s7], [sflag:s22] =	dma.local [hbm:s5], s20  }
0x9e: {  	_ =	swait.ge [sflag:s22], s20  }
0x9f: {  	s4 =	ssub.s32 $0x0, s20;
	[sflag:s22] =	ssyncset.done $0x0  }
0xa0: {  	[sflag:s22] =	ssyncadd.s32 s4;
	_ =	sdelay $0x1  }
0xa1: {  	s23 =	simm.s32 $0x1B8B  }
0xa2: {  	_ =	swait.ge [sflag:s23], $0x1  }
0xa3: {  	[sflag:s23] =	ssyncset.done $0x0  }
0xa4: {  	s25 =	simm.s32 $0x1B8E;
	s24 =	sld [smem:$0x3FFE];
	[sflag:s23] =	ssyncadd.s32 $0xFFFFFFFF  }
0xa5: {  	s26 =	simm.s32 $execute0_lowered;
	[smem:$0x3FD2] =	sst s25  }
0xa6: {  	s5 =	sshll.u32 s26, $0x1;
	_ =	strace $0x80000046;
	[dreg:$0x1] =	wrdreg $0xFFFFFFFF  }
0xa7: {  	s28 =	simm.s32 $_size_execute0_lowered;
	s3 =	sadd.s32 s3, s5;
	[dreg:$0x0] =	wrdreg $0x0  }
0xa8: {  	s5 =	sshll.u32 s28, $0x1;
	[dreg:$0x2] =	wrdreg s3  }
0xa9: {  	[dreg:$0x3] =	wrdreg s5  }
0xaa: {  	[dreg:$0x4] =	wrdreg $0xC0  }
0xab: {  	_ =	task [dreg:s7], $0x5FFFF  }
0xac: {  	[dreg:$0x1] =	wrdreg $0xFFFFFFFF  }
0xad: {  	[dreg:$0x0] =	wrdreg $0x60  }
0xae: {  	[dreg:$0x2] =	wrdreg s24  }
0xaf: {  	[dreg:$0x3] =	wrdreg s2  }
0xb0: {  	[dreg:$0x4] =	wrdreg $0x11E800  }
0xb1: {  	[dreg:$0x5] =	wrdreg $0x9  }
0xb2: {  	_ =	task.clear_ibuf [dreg:s7], $0x6FFFF;
	_ =	strace $0x90000046  }
0xb3: {  	s29 =	simm.s32 $0x9;
	_ =	strace $0x80000048  }
0xb4: {  	_ =	swait.ge [sflag:s29], $0x1  }
0xb5: {  	[sflag:s29] =	ssyncadd.s32 $0xFFFFFFFF  }
0xb6: {  	_ =	strace $0x90000048  }
0xb7: {  	_ =	sfence  }
0xb8: {  	s30 =	sld [smem:$0x0];
	_ =	sdelay $0x2  }
0xb9: {  	s31 =	sshll.u32 s1, $0xD;
	s1 =	sshrl.u32 s1, $0x2  }
0xba: {  	s3 =	sand.u32 $0x4000, s31;
	s1 =	sadd.s32 s1, s30  }
0xbb: {  	s0 =	sor.u32 s3, s0;
	s1 =	sshll.u32 s1, $0x11  }
0xbc: {  	s0 =	sor.u32 s1, s0  }
0xbd: {  	s0 =	sadd.s32 $0x8F2B, s0  }
0xbe: {  	[sflag:s0] =	ssyncadd.remote.s32 $0x1  }
0xbf: {  	_ =	sfence.sel $0xFFFF  }
0xc0: {  	[dreg:$0x0] =	wrdreg $0xFFFFFFFF;
	(pc) =	sbr.abs _section_cstart, $3  }
0xc1: {  	[dreg:$0x1] =	wrdreg $0xFFFFFFFF  }
0xc2: {  	_ =	task.clear_ibuf [dreg:s7], $0x2FFFF;
	_ =	strace $0x9FFFFFFF  }
0xc3: {  	(tm) =	ssettm $0x7FFFFFFF  }
tec
execute0_lowered:
.L_overlay_start_1:
0x0: {  	(tag) =	ssettag $0x1  }
0x1: {  	s0 =	stileid.u32  }
0x2: {  	v1 =	vimm.s32 $0x0;
	v17 =	vlaneseq.u32;
	s6 =	sshll.u32 s0, $0x6  }
0x3: {  	vm0 =	vcmask $0x300;
	v17 =	vmul.u32 $0x80, v17;
	v0 =	vmov s6  }
0x4: {  	v4 =	vsel vm0, $0x7, v1;
	s1 =	sor.u32 $0x20, s6;
	v0 =	vshrl.u32 v0, $0x5  }
0x5: {  	v2 =	vmov s1;
	v21 =	vor.u32 $0x1, v17;
	v40 =	vor.u32 $0x1000, v17  }
0x6: {  	v22 =	vor.u32 $0x2, v17;
	v23 =	vor.u32 $0x3, v17;
	v44 =	vor.u32 $0x1001, v17;
	[tilespmem:$0x1FEB0] =	vst v40  }
0x7: {  	s4 =	rddreg [dreg:$0x0];
	v24 =	vor.u32 $0x4, v17;
	v25 =	vor.u32 $0x5, v17;
	v45 =	vor.u32 $0x1800, v17;
	[tilespmem:$0x1FEC0] =	vst v44  }
0x8: {  	s7 =	rddreg [dreg:$0x1];
	s3 =	srdreg.scid;
	v26 =	vor.u32 $0x6, v17;
	v27 =	vor.u32 $0x7, v17;
	v46 =	vor.u32 $0x1801, v17;
	[tilespmem:$0x1FED0] =	vst v45  }
0x9: {  	s2 =	rddreg [dreg:$0x2];
	s5 =	sand.u32 $0x1, s3;
	s3 =	simm.s32 $0x0;
	v28 =	vor.u32 $0x8, v17;
	v29 =	vor.u32 $0x9, v17;
	v47 =	vor.u32 $0x2000, v17;
	[tilespmem:$0x1FEE0] =	vst v46  }
0xa: {  	[smem:$0x7FF] =	sst s3;
	v30 =	vor.u32 $0x800, v17;
	v31 =	vor.u32 $0x801, v17;
	v48 =	vor.u32 $0x2001, v17;
	[tilespmem:$0x1FEF0] =	vst v47  }
0xb: {  	v32 =	vor.u32 $0x802, v17;
	v33 =	vor.u32 $0x803, v17;
	s1 =	rddreg [dreg:$0x3];
	v49 =	vor.u32 $0x2800, v17;
	_ =	strace $0x80000047;
	[tilespmem:$0x1FF00] =	vst v48  }
0xc: {  	v34 =	vor.u32 $0x804, v17;
	v35 =	vor.u32 $0x805, v17;
	v50 =	vor.u32 $0x2801, v17;
	[tilespmem:$0x1FF10] =	vst v49  }
0xd: {  	v36 =	vor.u32 $0x806, v17;
	v37 =	vor.u32 $0x807, v17;
	v51 =	vor.u32 $0x3000, v17;
	[tilespmem:$0x1FF20] =	vst v50  }
0xe: {  	v38 =	vor.u32 $0x808, v17;
	v39 =	vor.u32 $0x809, v17;
	v52 =	vor.u32 $0x3001, v17;
	[tilespmem:$0x1FF30] =	vst v51  }
0xf: {  	v53 =	vor.u32 $0x3800, v17;
	v54 =	vor.u32 $0x3801, v17;
	v55 =	vor.u32 $0x4000, v17;
	[tilespmem:$0x1FF40] =	vst v52  }
0x10: {  	v56 =	vor.u32 $0x4001, v17;
	v57 =	vor.u32 $0x4800, v17;
	v58 =	vor.u32 $0x4801, v17;
	[tilespmem:$0x1FF50] =	vst v53  }
0x11: {  	v59 =	vor.u32 $0x5000, v17;
	v60 =	vor.u32 $0x5001, v17;
	v61 =	vor.u32 $0x5800, v17;
	[tilespmem:$0x1FF60] =	vst v54  }
0x12: {  	v62 =	vor.u32 $0x5801, v17;
	v0 =	vshll.u32 v0, v4;
	v5 =	vshrl.u32 v2, $0x5;
	[tilespmem:$0x1FF70] =	vst v55  }
0x13: {  	v63 =	vor.u32 $0x6000, v17;
	v0 =	vbroadcast v0, $0x0;
	v6 =	vshll.u32 v5, v4;
	[tilespmem:$0x1FFD0] =	vst v61  }
0x14: {  	s11 =	simm.s32 $0x11800;
	s12 =	simm.s32 $0x3;
	s13 =	simm.s32 $0x11880;
	[tilespmem:$0x1FFE0] =	vst v62;
	v61 =	vor.u32 $0x6001, v17;
	v62 =	vor.u32 $0x6800, v17;
	v6 =	vbroadcast v6, $0x0  }
0x15: {  	s14 =	simm.s32 $0x1;
	s8 =	sshll.u32 s0, $0xA;
	s9 =	sshll.u32 s5, $0x9;
	[tilespmem:$0x1FF80] =	vst v56;
	v1 =	vor.u32 $0x1, v0;
	v2 =	vor.u32 $0x2, v0;
	v3 =	vor.u32 $0x3, v0  }
0x16: {  	s15 =	simm.s32 $0x11C80;
	s5 =	ssub.s32 $0x2, s5;
	s8 =	sor.u32 s9, s8;
	[tilespmem:$0x1FF90] =	vst v57;
	v4 =	vor.u32 $0x4, v0;
	v5 =	vor.u32 $0x5, v0;
	v7 =	vor.u32 $0x6, v0  }
0x17: {  	s6 =	sadd.s32 s6, s2;
	s10 =	sshrl.u32 s5, $0x1;
	s9 =	sshll.u32 s8, $0x4;
	[tilespmem:$0x1FFA0] =	vst v58;
	v8 =	vor.u32 $0x7, v0;
	v9 =	vor.u32 $0x8, v0;
	v10 =	vor.u32 $0x9, v0  }
0x18: {  	s10 =	ssub.s32 s5, s10;
	s8 =	sshrl.u32 s8, $0x3;
	s9 =	sadd.s32 s9, s4;
	[tilespmem:$0x1FFB0] =	vst v59;
	v11 =	vor.u32 $0x1, v6;
	v12 =	vor.u32 $0x2, v6;
	v13 =	vor.u32 $0x3, v6  }
0x19: {  	s4 =	sadd.s32 $0x40800, s4;
	s7 =	sadd.s32 s7, s8;
	s8 =	smax.u32 s10, $0x1;
	[tilespmem:$0x1FFC0] =	vst v60;
	v14 =	vor.u32 $0x4, v6;
	v15 =	vor.u32 $0x5, v6;
	v16 =	vor.u32 $0x6, v6  }
0x1a: {  	s10 =	simm.s32 $0x2;
	[tilespmem:$0x1FFF0] =	vst v63;
	s5 =	sadd.s32 $0x800, s9;
	s9 =	simm.s32 $0x10000;
	v18 =	vor.u32 $0x7, v6;
	v19 =	vor.u32 $0x8, v6;
	v20 =	vor.u32 $0x9, v6  }
.LBB2_1:
0x1b: {  	[tilespmem:s3], [sflag:$0x1] =	stream.linear.gather [hbm4b:s5+s3], $0x10000, $0x38;
	[tilespmem:$0x11EC0] =	vst v63  }
0x1c: {  	_ = 	snop  }
0x1d: {  	[tilespmem:s9], [sflag:$0x2] =	stream.linear.gather [hbm4b:s4+s3], $0x1680, $0x38;
	[tilespmem:$0x11EC0] =	vst v63  }
0x1e: {  	_ =	swait.ge [sflag:s10], $0x1680  }
0x1f: {  	[sflag:s10] =	ssyncset.done $0x0  }
0x20: {  	[sflag:s10] =	ssyncadd.s32 $0xFFFFE980  }
0x21: {  	v46 =	vld [tilespmem:$0x11000]  }
0x22: {  	v44 =	vld [tilespmem:$0x11080]  }
0x23: {  	v43 =	vld [tilespmem:$0x11100]  }
0x24: {  	v41 =	vld.idx.msk [tilespmem:v0+s9+$0x0], $0xffff  }
0x25: {  	v45 =	vld.idx.msk [tilespmem:v17+s9+$0x0], $0xffff  }
0x26: {  	v47 =	vld.idx.msk [tilespmem:v1+s9+$0x0], $0xffff  }
0x27: {  	v48 =	vld.idx.msk [tilespmem:v21+s9+$0x0], $0xffff  }
0x28: {  	v49 =	vld.idx.msk [tilespmem:v2+s9+$0x0], $0xffff  }
0x29: {  	v60 =	vld.idx.msk [tilespmem:v22+s9+$0x0], $0xffff  }
0x2a: {  	v50 =	vld.idx.msk [tilespmem:v3+s9+$0x0], $0xffff  }
0x2b: {  	v52 =	vld.idx.msk [tilespmem:v23+s9+$0x0], $0xffff  }
0x2c: {  	v57 =	vld.idx.msk [tilespmem:v4+s9+$0x0], $0xffff  }
0x2d: {  	v58 =	vld.idx.msk [tilespmem:v24+s9+$0x0], $0xffff  }
0x2e: {  	v53 =	vld.idx.msk [tilespmem:v5+s9+$0x0], $0xffff  }
0x2f: {  	v59 =	vld.idx.msk [tilespmem:v25+s9+$0x0], $0xffff;
	v41 =	vsub.f32 v41, v45  }
0x30: {  	v54 =	vld.idx.msk [tilespmem:v7+s9+$0x0], $0xffff  }
0x31: {  	v55 =	vld.idx.msk [tilespmem:v26+s9+$0x0], $0xffff;
	v47 =	vsub.f32 v47, v48;
	v51 =	vmul.f32 v41, v41  }
0x32: {  	v42 =	vld [tilespmem:$0x11180];
	v45 =	vsub.f32 v49, v60  }
0x33: {  	v40 =	vld [tilespmem:$0x11200];
	v50 =	vsub.f32 v50, v52;
	v47 =	vmul.f32 v47, v47;
	v56 =	vmul.f32 v51, v46  }
0x34: {  	v63 =	vld [tilespmem:$0x11280];
	v49 =	vsub.f32 v57, v58;
	v45 =	vmul.f32 v45, v45  }
0x35: {  	v52 =	vld.idx.msk [tilespmem:v27+s9+$0x0], $0xffff;
	v50 =	vmul.f32 v50, v50;
	v47 =	vmul.f32 v47, v44;
	v48 =	vadd.f32 $0.0e+00, v56  }
0x36: {  	v58 =	vsub.f32 v53, v59;
	v59 =	vsub.f32 v54, v55;
	v54 =	vld.idx.msk [tilespmem:v28+s9+$0x0], $0xffff  }
0x37: {  	v60 =	vmul.f32 v45, v43;
	v57 =	vmul.f32 v50, v42;
	v50 =	vld.idx.msk [tilespmem:v8+s9+$0x0], $0xffff;
	v47 =	vadd.f32 v47, v48  }
0x38: {  	v41 =	vld [tilespmem:$0x11300]  }
0x39: {  	v49 =	vmul.f32 v49, v49;
	v45 =	vld [tilespmem:$0x11380];
	v47 =	vadd.f32 v60, v47  }
0x3a: {  	v48 =	vld.idx.msk [tilespmem:v9+s9+$0x0], $0xffff  }
0x3b: {  	v49 =	vmul.f32 v49, v40;
	v51 =	vmul.f32 v58, v58;
	v56 =	vld.idx.msk [tilespmem:v29+s9+$0x0], $0xffff;
	v47 =	vadd.f32 v57, v47  }
0x3c: {  	v50 =	vsub.f32 v50, v52;
	v60 =	vld.idx.msk [tilespmem:v10+s9+$0x0], $0xffff  }
0x3d: {  	v53 =	vmul.f32 v59, v59;
	v51 =	vmul.f32 v51, v63;
	v49 =	vadd.f32 v49, v47  }
0x3e: {  	v50 =	vmul.f32 v50, v50;
	v47 =	vld [tilespmem:$0x11400]  }
0x3f: {  	v57 =	vmul.f32 v53, v41;
	v58 =	vsub.f32 v48, v54;
	v49 =	vadd.f32 v51, v49  }
0x40: {  	v48 =	vld [tilespmem:$0x11480];
	v50 =	vmul.f32 v50, v45  }
0x41: {  	v59 =	vmul.f32 v58, v58;
	v60 =	vsub.f32 v60, v56;
	v49 =	vadd.f32 v57, v49;
	_ =	sdelay $0x1  }
0x42: {  	v57 =	vmul.f32 v60, v60;
	v56 =	vmul.f32 v59, v47;
	v49 =	vadd.f32 v50, v49;
	_ =	sdelay $0x1  }
0x43: {  	v58 =	vmul.f32 v57, v48;
	v49 =	vadd.f32 v56, v49;
	_ =	sdelay $0x1  }
0x44: {  	v49 =	vadd.f32 v58, v49;
	_ =	sdelay $0x1  }
0x45: {  	v49 =	vmax.f32 v49, $9.999999960e-13  }
0x46: {  	v59 =	vshrl.u32 v49, $0x1;
	v60 =	vmul.f32 $5.000000000e-01, v49  }
0x47: {  	v50 =	vsub.s32 $0x5F3759DF, v59  }
0x48: {  	v56 =	vmul.f32 v50, v60;
	_ =	sdelay $0x1  }
0x49: {  	v52 =	vmul.f32 v50, v56;
	_ =	sdelay $0x1  }
0x4a: {  	v52 =	vsub.f32 $1.500000000e+00, v52;
	_ =	sdelay $0x1  }
0x4b: {  	v50 =	vmul.f32 v50, v52;
	_ =	sdelay $0x1  }
0x4c: {  	v52 =	vmul.f32 v50, v60;
	_ =	sdelay $0x1  }
0x4d: {  	v52 =	vmul.f32 v52, v50;
	_ =	sdelay $0x1  }
0x4e: {  	v52 =	vsub.f32 $1.500000000e+00, v52;
	_ =	sdelay $0x1  }
0x4f: {  	v50 =	vmul.f32 v52, v50;
	_ =	sdelay $0x1  }
0x50: {  	v51 =	vmul.f32 v50, v60;
	_ =	sdelay $0x1  }
0x51: {  	v51 =	vmul.f32 v51, v50;
	_ =	sdelay $0x1  }
0x52: {  	v51 =	vsub.f32 $1.500000000e+00, v51;
	_ =	sdelay $0x1  }
0x53: {  	v50 =	vmul.f32 v51, v50;
	_ =	sdelay $0x1  }
0x54: {  	v49 =	vmul.f32 v50, v49;
	_ =	sdelay $0x1  }
0x55: {  	v49 =	vmul.f32 $-3.000000000e+00, v49;
	_ =	sdelay $0x1  }
0x56: {  	v49 =	vmul.f32 $1.442695020e+00, v49;
	_ =	sdelay $0x1  }
0x57: {  	(erf) = vpow2.f32 v49;
	_ =	sdelay $0x3  }
0x58: {  	v57 =	vld [tilespmem:$0x11600]  }
0x59: {  	v49 =	vld [tilespmem:$0x11580];
	_ =	sdelay $0x3  }
0x5a: {  	v58 =	vpop (erf)  }
0x5b: {  	v50 =	vsub.f32 $0.0e+00, v57;
	v51 =	vsub.f32 v58, v49;
	_ =	sdelay $0x1  }
0x5c: {  	v51 =	vmul.f32 v51, v50;
	_ =	sdelay $0x1  }
0x5d: {  	v51 =	vmul.f32 $1.442695020e+00, v51;
	_ =	sdelay $0x1  }
0x5e: {  	(erf) = vpow2.f32 v51;
	_ =	sdelay $0x8  }
0x5f: {  	v51 =	vpop (erf)  }
0x60: {  	v51 =	vadd.f32 $1.000000000e+00, v51;
	_ =	sdelay $0x1  }
0x61: {  	(erf) = vrcp.f32 v51;
	_ =	sdelay $0x4  }
0x62: {  	v51 =	vld [tilespmem:$0x11500];
	_ =	sdelay $0x3  }
0x63: {  	v59 =	vpop (erf)  }
0x64: {  	v52 =	vmul.f32 v59, v51;
	_ =	sdelay $0x1  }
0x65: {  	[tilespmem:$0x11800] =	vst v52  }
0x66: {  	v52 =	vld.idx.msk [tilespmem:v0+s9+$0x0], $0xffff  }
0x67: {  	v60 =	vld.idx.msk [tilespmem:v30+s9+$0x0], $0xffff  }
0x68: {  	v54 =	vld.idx.msk [tilespmem:v1+s9+$0x0], $0xffff  }
0x69: {  	v55 =	vld.idx.msk [tilespmem:v31+s9+$0x0], $0xffff  }
0x6a: {  	v56 =	vld.idx.msk [tilespmem:v2+s9+$0x0], $0xffff  }
0x6b: {  	v57 =	vld.idx.msk [tilespmem:v3+s9+$0x0], $0xffff  }
0x6c: {  	v52 =	vsub.f32 v52, v60;
	v60 =	vld.idx.msk [tilespmem:v32+s9+$0x0], $0xffff  }
0x6d: {  	v58 =	vld.idx.msk [tilespmem:v33+s9+$0x0], $0xffff;
	_ =	sdelay $0x1  }
0x6e: {  	v59 =	vld.idx.msk [tilespmem:v5+s9+$0x0], $0xffff;
	v54 =	vsub.f32 v54, v55;
	v52 =	vmul.f32 v52, v52  }
0x6f: {  	v55 =	vld.idx.msk [tilespmem:v4+s9+$0x0], $0xffff  }
0x70: {  	v54 =	vmul.f32 v54, v54;
	v52 =	vmul.f32 v52, v46;
	v53 =	vsub.f32 v56, v60;
	v56 =	vld.idx.msk [tilespmem:v34+s9+$0x0], $0xffff  }
0x71: {  	v57 =	vsub.f32 v57, v58;
	v58 =	vld.idx.msk [tilespmem:v35+s9+$0x0], $0xffff  }
0x72: {  	v54 =	vmul.f32 v54, v44;
	v52 =	vadd.f32 $0.0e+00, v52  }
0x73: {  	v60 =	vld.idx.msk [tilespmem:v7+s9+$0x0], $0xffff;
	v53 =	vmul.f32 v53, v53  }
0x74: {  	v52 =	vadd.f32 v54, v52;
	v54 =	vmul.f32 v57, v57;
	v57 =	vld.idx.msk [tilespmem:v36+s9+$0x0], $0xffff  }
0x75: {  	v53 =	vmul.f32 v53, v43;
	v55 =	vsub.f32 v55, v56  }
0x76: {  	v56 =	vsub.f32 v59, v58;
	v58 =	vld.idx.msk [tilespmem:v37+s9+$0x0], $0xffff  }
0x77: {  	v52 =	vadd.f32 v53, v52;
	v53 =	vmul.f32 v54, v42;
	v54 =	vld.idx.msk [tilespmem:v8+s9+$0x0], $0xffff;
	v55 =	vmul.f32 v55, v55  }
0x78: {  	v59 =	vld.idx.msk [tilespmem:v38+s9+$0x0], $0xffff;
	v56 =	vmul.f32 v56, v56  }
0x79: {  	v52 =	vadd.f32 v53, v52;
	v53 =	vld.idx.msk [tilespmem:v9+s9+$0x0], $0xffff;
	v57 =	vsub.f32 v60, v57;
	v55 =	vmul.f32 v55, v40  }
0x7a: {  	v60 =	vld.idx.msk [tilespmem:v10+s9+$0x0], $0xffff  }
0x7b: {  	v52 =	vadd.f32 v55, v52;
	v55 =	vmul.f32 v56, v63;
	v56 =	vmul.f32 v57, v57;
	v57 =	vld.idx.msk [tilespmem:v39+s9+$0x0], $0xffff  }
0x7c: {  	v54 =	vsub.f32 v54, v58  }
0x7d: {  	v52 =	vadd.f32 v55, v52;
	v58 =	vmul.f32 v56, v41  }
0x7e: {  	v54 =	vmul.f32 v54, v54;
	v53 =	vsub.f32 v53, v59  }
0x7f: {  	v52 =	vadd.f32 v58, v52  }
0x80: {  	v54 =	vmul.f32 v54, v45;
	v53 =	vmul.f32 v53, v53;
	v59 =	vsub.f32 v60, v57;
	_ =	sdelay $0x1  }
0x81: {  	v52 =	vadd.f32 v54, v52;
	v53 =	vmul.f32 v53, v47;
	v60 =	vmul.f32 v59, v59;
	_ =	sdelay $0x1  }
0x82: {  	v52 =	vadd.f32 v53, v52;
	v56 =	vmul.f32 v60, v48;
	_ =	sdelay $0x1  }
0x83: {  	v52 =	vadd.f32 v56, v52;
	_ =	sdelay $0x1  }
0x84: {  	v52 =	vmax.f32 v52, $9.999999960e-13  }
0x85: {  	v57 =	vshrl.u32 v52, $0x1;
	v58 =	vmul.f32 $5.000000000e-01, v52  }
0x86: {  	v53 =	vsub.s32 $0x5F3759DF, v57  }
0x87: {  	v59 =	vmul.f32 v53, v58;
	_ =	sdelay $0x1  }
0x88: {  	v55 =	vmul.f32 v53, v59;
	_ =	sdelay $0x1  }
0x89: {  	v55 =	vsub.f32 $1.500000000e+00, v55;
	_ =	sdelay $0x1  }
0x8a: {  	v53 =	vmul.f32 v53, v55;
	_ =	sdelay $0x1  }
0x8b: {  	v55 =	vmul.f32 v53, v58;
	_ =	sdelay $0x1  }
0x8c: {  	v55 =	vmul.f32 v55, v53;
	_ =	sdelay $0x1  }
0x8d: {  	v55 =	vsub.f32 $1.500000000e+00, v55;
	_ =	sdelay $0x1  }
0x8e: {  	v53 =	vmul.f32 v55, v53;
	_ =	sdelay $0x1  }
0x8f: {  	v54 =	vmul.f32 v53, v58;
	_ =	sdelay $0x1  }
0x90: {  	v54 =	vmul.f32 v54, v53;
	_ =	sdelay $0x1  }
0x91: {  	v54 =	vsub.f32 $1.500000000e+00, v54;
	_ =	sdelay $0x1  }
0x92: {  	v53 =	vmul.f32 v54, v53;
	_ =	sdelay $0x1  }
0x93: {  	v52 =	vmul.f32 v53, v52;
	_ =	sdelay $0x1  }
0x94: {  	v52 =	vmul.f32 $-3.000000000e+00, v52;
	_ =	sdelay $0x1  }
0x95: {  	v52 =	vmul.f32 $1.442695020e+00, v52;
	_ =	sdelay $0x1  }
0x96: {  	(erf) = vpow2.f32 v52;
	_ =	sdelay $0x8  }
0x97: {  	v52 =	vpop (erf)  }
0x98: {  	v52 =	vsub.f32 v52, v49;
	_ =	sdelay $0x1  }
0x99: {  	v52 =	vmul.f32 v52, v50;
	_ =	sdelay $0x1  }
0x9a: {  	v52 =	vmul.f32 $1.442695020e+00, v52;
	_ =	sdelay $0x1  }
0x9b: {  	(erf) = vpow2.f32 v52;
	_ =	sdelay $0x8  }
0x9c: {  	v52 =	vpop (erf)  }
0x9d: {  	v52 =	vadd.f32 $1.000000000e+00, v52;
	_ =	sdelay $0x1  }
0x9e: {  	(erf) = vrcp.f32 v52;
	_ =	sdelay $0x8  }
0x9f: {  	v52 =	vpop (erf)  }
0xa0: {  	v52 =	vmul.f32 v52, v51;
	_ =	sdelay $0x1  }
0xa1: {  	[tilespmem:$0x11810] =	vst v52  }
0xa2: {  	v52 =	vld.idx.msk [tilespmem:v6+s9+$0x0], $0xffff  }
0xa3: {  	v60 =	vld.idx.msk [tilespmem:v17+s9+$0x0], $0xffff  }
0xa4: {  	v54 =	vld.idx.msk [tilespmem:v11+s9+$0x0], $0xffff  }
0xa5: {  	v55 =	vld.idx.msk [tilespmem:v21+s9+$0x0], $0xffff  }
0xa6: {  	v56 =	vld.idx.msk [tilespmem:v12+s9+$0x0], $0xffff  }
0xa7: {  	v53 =	vld.idx.msk [tilespmem:v22+s9+$0x0], $0xffff  }
0xa8: {  	v57 =	vld.idx.msk [tilespmem:v13+s9+$0x0], $0xffff;
	v52 =	vsub.f32 v52, v60  }
0xa9: {  	v60 =	vld.idx.msk [tilespmem:v23+s9+$0x0], $0xffff  }
0xaa: {  	v59 =	vld.idx.msk [tilespmem:v15+s9+$0x0], $0xffff;
	v54 =	vsub.f32 v54, v55;
	v52 =	vmul.f32 v52, v52  }
0xab: {  	v55 =	vld.idx.msk [tilespmem:v14+s9+$0x0], $0xffff  }
0xac: {  	v53 =	vsub.f32 v56, v53;
	v56 =	vld.idx.msk [tilespmem:v24+s9+$0x0], $0xffff;
	v54 =	vmul.f32 v54, v54;
	v52 =	vmul.f32 v52, v46  }
0xad: {  	v58 =	vld.idx.msk [tilespmem:v25+s9+$0x0], $0xffff  }
0xae: {  	v54 =	vmul.f32 v54, v44;
	v57 =	vsub.f32 v57, v60;
	v52 =	vadd.f32 $0.0e+00, v52  }
0xaf: {  	v53 =	vmul.f32 v53, v53;
	v60 =	vld.idx.msk [tilespmem:v16+s9+$0x0], $0xffff  }
0xb0: {  	v52 =	vadd.f32 v54, v52;
	v54 =	vmul.f32 v57, v57;
	v57 =	vld.idx.msk [tilespmem:v26+s9+$0x0], $0xffff  }
0xb1: {  	v53 =	vmul.f32 v53, v43;
	v55 =	vsub.f32 v55, v56  }
0xb2: {  	v56 =	vsub.f32 v59, v58;
	v58 =	vld.idx.msk [tilespmem:v27+s9+$0x0], $0xffff  }
0xb3: {  	v55 =	vmul.f32 v55, v55;
	v52 =	vadd.f32 v53, v52;
	v53 =	vmul.f32 v54, v42;
	v54 =	vld.idx.msk [tilespmem:v18+s9+$0x0], $0xffff  }
0xb4: {  	v59 =	vld.idx.msk [tilespmem:v28+s9+$0x0], $0xffff;
	v56 =	vmul.f32 v56, v56  }
0xb5: {  	v55 =	vmul.f32 v55, v40;
	v52 =	vadd.f32 v53, v52;
	v53 =	vld.idx.msk [tilespmem:v19+s9+$0x0], $0xffff;
	v57 =	vsub.f32 v60, v57  }
0xb6: {  	v60 =	vld.idx.msk [tilespmem:v20+s9+$0x0], $0xffff  }
0xb7: {  	v52 =	vadd.f32 v55, v52;
	v55 =	vmul.f32 v56, v63;
	v56 =	vmul.f32 v57, v57;
	v57 =	vld.idx.msk [tilespmem:v29+s9+$0x0], $0xffff  }
0xb8: {  	v54 =	vsub.f32 v54, v58  }
0xb9: {  	v52 =	vadd.f32 v55, v52;
	v58 =	vmul.f32 v56, v41  }
0xba: {  	v54 =	vmul.f32 v54, v54;
	v53 =	vsub.f32 v53, v59  }
0xbb: {  	v52 =	vadd.f32 v58, v52  }
0xbc: {  	v54 =	vmul.f32 v54, v45;
	v53 =	vmul.f32 v53, v53;
	v59 =	vsub.f32 v60, v57;
	_ =	sdelay $0x1  }
0xbd: {  	v52 =	vadd.f32 v54, v52;
	v53 =	vmul.f32 v53, v47;
	v60 =	vmul.f32 v59, v59;
	_ =	sdelay $0x1  }
0xbe: {  	v52 =	vadd.f32 v53, v52;
	v56 =	vmul.f32 v60, v48;
	_ =	sdelay $0x1  }
0xbf: {  	v52 =	vadd.f32 v56, v52;
	_ =	sdelay $0x1  }
0xc0: {  	v52 =	vmax.f32 v52, $9.999999960e-13  }
0xc1: {  	v57 =	vshrl.u32 v52, $0x1;
	v58 =	vmul.f32 $5.000000000e-01, v52  }
0xc2: {  	v53 =	vsub.s32 $0x5F3759DF, v57  }
0xc3: {  	v59 =	vmul.f32 v53, v58;
	_ =	sdelay $0x1  }
0xc4: {  	v55 =	vmul.f32 v53, v59;
	_ =	sdelay $0x1  }
0xc5: {  	v55 =	vsub.f32 $1.500000000e+00, v55;
	_ =	sdelay $0x1  }
0xc6: {  	v53 =	vmul.f32 v53, v55;
	_ =	sdelay $0x1  }
0xc7: {  	v55 =	vmul.f32 v53, v58;
	_ =	sdelay $0x1  }
0xc8: {  	v55 =	vmul.f32 v55, v53;
	_ =	sdelay $0x1  }
0xc9: {  	v55 =	vsub.f32 $1.500000000e+00, v55;
	_ =	sdelay $0x1  }
0xca: {  	v53 =	vmul.f32 v55, v53;
	_ =	sdelay $0x1  }
0xcb: {  	v54 =	vmul.f32 v53, v58;
	_ =	sdelay $0x1  }
0xcc: {  	v54 =	vmul.f32 v54, v53;
	_ =	sdelay $0x1  }
0xcd: {  	v54 =	vsub.f32 $1.500000000e+00, v54;
	_ =	sdelay $0x1  }
0xce: {  	v53 =	vmul.f32 v54, v53;
	_ =	sdelay $0x1  }
0xcf: {  	v52 =	vmul.f32 v53, v52;
	_ =	sdelay $0x1  }
0xd0: {  	v52 =	vmul.f32 $-3.000000000e+00, v52;
	_ =	sdelay $0x1  }
0xd1: {  	v52 =	vmul.f32 $1.442695020e+00, v52;
	_ =	sdelay $0x1  }
0xd2: {  	(erf) = vpow2.f32 v52;
	_ =	sdelay $0x8  }
0xd3: {  	v52 =	vpop (erf)  }
0xd4: {  	v52 =	vsub.f32 v52, v49;
	_ =	sdelay $0x1  }
0xd5: {  	v52 =	vmul.f32 v52, v50;
	_ =	sdelay $0x1  }
0xd6: {  	v52 =	vmul.f32 $1.442695020e+00, v52;
	_ =	sdelay $0x1  }
0xd7: {  	(erf) = vpow2.f32 v52;
	_ =	sdelay $0x8  }
0xd8: {  	v52 =	vpop (erf)  }
0xd9: {  	v52 =	vadd.f32 $1.000000000e+00, v52;
	_ =	sdelay $0x1  }
0xda: {  	(erf) = vrcp.f32 v52;
	_ =	sdelay $0x8  }
0xdb: {  	v52 =	vpop (erf)  }
0xdc: {  	v52 =	vmul.f32 v52, v51;
	_ =	sdelay $0x1  }
0xdd: {  	[tilespmem:$0x11820] =	vst v52  }
0xde: {  	v52 =	vld.idx.msk [tilespmem:v6+s9+$0x0], $0xffff  }
0xdf: {  	v60 =	vld.idx.msk [tilespmem:v30+s9+$0x0], $0xffff  }
0xe0: {  	v54 =	vld.idx.msk [tilespmem:v11+s9+$0x0], $0xffff  }
0xe1: {  	v55 =	vld.idx.msk [tilespmem:v31+s9+$0x0], $0xffff  }
0xe2: {  	v56 =	vld.idx.msk [tilespmem:v12+s9+$0x0], $0xffff  }
0xe3: {  	v53 =	vld.idx.msk [tilespmem:v32+s9+$0x0], $0xffff;
	_ =	sdelay $0x1  }
0xe4: {  	v57 =	vld.idx.msk [tilespmem:v13+s9+$0x0], $0xffff;
	v52 =	vsub.f32 v52, v60  }
0xe5: {  	v60 =	vld.idx.msk [tilespmem:v33+s9+$0x0], $0xffff  }
0xe6: {  	v58 =	vld.idx.msk [tilespmem:v16+s9+$0x0], $0xffff;
	v52 =	vmul.f32 v52, v52  }
0xe7: {  	v54 =	vsub.f32 v54, v55;
	v53 =	vsub.f32 v56, v53;
	v55 =	vld.idx.msk [tilespmem:v34+s9+$0x0], $0xffff  }
0xe8: {  	v46 =	vmul.f32 v52, v46;
	v52 =	vld.idx.msk [tilespmem:v14+s9+$0x0], $0xffff  }
0xe9: {  	v56 =	vld.idx.msk [tilespmem:v15+s9+$0x0], $0xffff;
	v54 =	vmul.f32 v54, v54;
	v53 =	vmul.f32 v53, v53  }
0xea: {  	v60 =	vsub.f32 v57, v60;
	v57 =	vld.idx.msk [tilespmem:v35+s9+$0x0], $0xffff  }
0xeb: {  	v44 =	vmul.f32 v54, v44;
	v43 =	vmul.f32 v53, v43;
	v53 =	vld.idx.msk [tilespmem:v36+s9+$0x0], $0xffff;
	v46 =	vadd.f32 $0.0e+00, v46  }
0xec: {  	v59 =	vmul.f32 v60, v60  }
0xed: {  	v44 =	vadd.f32 v44, v46;
	v52 =	vsub.f32 v52, v55  }
0xee: {  	v54 =	vld.idx.msk [tilespmem:v37+s9+$0x0], $0xffff;
	v42 =	vmul.f32 v59, v42  }
0xef: {  	v43 =	vadd.f32 v43, v44;
	v44 =	vld.idx.msk [tilespmem:v18+s9+$0x0], $0xffff;
	v59 =	vsub.f32 v56, v57;
	v60 =	vmul.f32 v52, v52  }
0xf0: {  	v57 =	vsub.f32 v58, v53;
	v58 =	vld.idx.msk [tilespmem:v38+s9+$0x0], $0xffff  }
0xf1: {  	v42 =	vadd.f32 v42, v43;
	v43 =	vld.idx.msk [tilespmem:v19+s9+$0x0], $0xffff;
	v40 =	vmul.f32 v60, v40;
	v60 =	vmul.f32 v59, v59  }
0xf2: {  	v55 =	vld.idx.msk [tilespmem:v20+s9+$0x0], $0xffff  }
0xf3: {  	v40 =	vadd.f32 v40, v42;
	v59 =	vmul.f32 v60, v63;
	v60 =	vmul.f32 v57, v57;
	v63 =	vld.idx.msk [tilespmem:v39+s9+$0x0], $0xffff  }
0xf4: {  	v44 =	vsub.f32 v44, v54  }
0xf5: {  	v40 =	vadd.f32 v59, v40;
	v41 =	vmul.f32 v60, v41  }
0xf6: {  	v56 =	vsub.f32 v43, v58;
	v57 =	vmul.f32 v44, v44  }
0xf7: {  	v40 =	vadd.f32 v41, v40  }
0xf8: {  	v58 =	vmul.f32 v57, v45;
	v42 =	vmul.f32 v56, v56;
	v59 =	vsub.f32 v55, v63;
	_ =	sdelay $0x1  }
0xf9: {  	v40 =	vadd.f32 v58, v40;
	v60 =	vmul.f32 v42, v47;
	v63 =	vmul.f32 v59, v59;
	_ =	sdelay $0x1  }
0xfa: {  	v40 =	vadd.f32 v60, v40;
	v45 =	vmul.f32 v63, v48;
	_ =	sdelay $0x1  }
0xfb: {  	v40 =	vadd.f32 v45, v40;
	_ =	sdelay $0x1  }
0xfc: {  	v40 =	vmax.f32 v40, $9.999999960e-13  }
0xfd: {  	v46 =	vshrl.u32 v40, $0x1;
	v47 =	vmul.f32 $5.000000000e-01, v40  }
0xfe: {  	v41 =	vsub.s32 $0x5F3759DF, v46  }
0xff: {  	v48 =	vmul.f32 v41, v47;
	_ =	sdelay $0x1  }
0x100: {  	v43 =	vmul.f32 v41, v48;
	_ =	sdelay $0x1  }
0x101: {  	v43 =	vsub.f32 $1.500000000e+00, v43;
	_ =	sdelay $0x1  }
0x102: {  	v41 =	vmul.f32 v41, v43;
	_ =	sdelay $0x1  }
0x103: {  	v43 =	vmul.f32 v41, v47;
	_ =	sdelay $0x1  }
0x104: {  	v43 =	vmul.f32 v43, v41;
	_ =	sdelay $0x1  }
0x105: {  	v43 =	vsub.f32 $1.500000000e+00, v43;
	_ =	sdelay $0x1  }
0x106: {  	v41 =	vmul.f32 v43, v41;
	_ =	sdelay $0x1  }
0x107: {  	v42 =	vmul.f32 v41, v47;
	_ =	sdelay $0x1  }
0x108: {  	v42 =	vmul.f32 v42, v41;
	_ =	sdelay $0x1  }
0x109: {  	v42 =	vsub.f32 $1.500000000e+00, v42;
	_ =	sdelay $0x1  }
0x10a: {  	v41 =	vmul.f32 v42, v41;
	_ =	sdelay $0x1  }
0x10b: {  	v40 =	vmul.f32 v41, v40;
	_ =	sdelay $0x1  }
0x10c: {  	v40 =	vmul.f32 $-3.000000000e+00, v40;
	_ =	sdelay $0x1  }
0x10d: {  	v40 =	vmul.f32 $1.442695020e+00, v40;
	_ =	sdelay $0x1  }
0x10e: {  	(erf) = vpow2.f32 v40;
	_ =	sdelay $0x8  }
0x10f: {  	v40 =	vpop (erf)  }
0x110: {  	v40 =	vsub.f32 v40, v49;
	_ =	sdelay $0x1  }
0x111: {  	v40 =	vmul.f32 v40, v50;
	_ =	sdelay $0x1  }
0x112: {  	v40 =	vmul.f32 $1.442695020e+00, v40;
	_ =	sdelay $0x1  }
0x113: {  	(erf) = vpow2.f32 v40;
	_ =	sdelay $0x8  }
0x114: {  	v40 =	vpop (erf)  }
0x115: {  	v40 =	vadd.f32 $1.000000000e+00, v40;
	_ =	sdelay $0x1  }
0x116: {  	(erf) = vrcp.f32 v40;
	_ =	sdelay $0x8  }
0x117: {  	v40 =	vpop (erf)  }
0x118: {  	v40 =	vmul.f32 v40, v51;
	_ =	sdelay $0x1  }
0x119: {  	[tilespmem:$0x11830] =	vst v40  }
0x11a: {  	[spmem:s6] =	stream.linear.scatter [tilespmem:s11], [sflag:$0x3], $0x40, $0x38;
	[tilespmem:$0x11EC0] =	vst v63  }
0x11b: {  	_ =	swait.ge [sflag:s12], $0x40  }
0x11c: {  	[sflag:s12] =	ssyncset.done $0x0  }
0x11d: {  	[sflag:s12] =	ssyncadd.s32 $0xFFFFFFC0  }
0x11e: {  	[bflag:$0x0] =	sbarrier.arrive $0xFFFF  }
0x11f: {  	[tilespmem:s13], [sflag:$0x3] =	stream.linear.gather [spmem:s2], $0x400, $0x38;
	[tilespmem:$0x11EC0] =	vst v63  }
0x120: {  	_ =	swait.ge [sflag:s12], $0x400  }
0x121: {  	[sflag:s12] =	ssyncset.done $0x0  }
0x122: {  	[sflag:s12] =	ssyncadd.s32 $0xFFFFFC00  }
0x123: {  	_ =	swait.ge [sflag:s14], $0x10000  }
0x124: {  	[sflag:s14] =	ssyncset.done $0x0  }
0x125: {  	[sflag:s14] =	ssyncadd.s32 $0xFFFF0000  }
0x126: {  	v52 =	vld.idx.msk [tilespmem:v17+s3+$0x0], $0xffff  }
0x127: {  	v53 =	vld.idx.msk [tilespmem:v21+s3+$0x0], $0xffff;
	_ =	sdelay $0x3  }
0x128: {  	v40 =	vshll.u32 v52, $0x5  }
0x129: {  	v40 =	vadd.s32 v53, v40;
	_ =	sdelay $0x4  }
0x12a: {  	v40 =	vld.idx.msk [tilespmem:v40+s13+$0x0], $0xffff;
	_ =	sdelay $0x4  }
0x12b: {  	[tilespmem:$0x11C80] =	vst v40  }
0x12c: {  	v40 =	vld.idx.msk [tilespmem:v30+s3+$0x0], $0xffff  }
0x12d: {  	v54 =	vld.idx.msk [tilespmem:v31+s3+$0x0], $0xffff;
	_ =	sdelay $0x3  }
0x12e: {  	v40 =	vshll.u32 v40, $0x5  }
0x12f: {  	v40 =	vadd.s32 v54, v40;
	_ =	sdelay $0x2  }
0x130: {  	v55 =	vld [tilespmem:$0x1FEB0]  }
0x131: {  	v56 =	vld [tilespmem:$0x1FEC0]  }
0x132: {  	v40 =	vld.idx.msk [tilespmem:v40+s13+$0x0], $0xffff;
	_ =	sdelay $0x4  }
0x133: {  	[tilespmem:$0x11C90] =	vst v40  }
0x134: {  	v40 =	vld.idx.msk [tilespmem:v55+s3+$0x0], $0xffff  }
0x135: {  	v41 =	vld.idx.msk [tilespmem:v56+s3+$0x0], $0xffff;
	_ =	sdelay $0x3  }
0x136: {  	v40 =	vshll.u32 v40, $0x5  }
0x137: {  	v40 =	vadd.s32 v41, v40;
	_ =	sdelay $0x2  }
0x138: {  	v57 =	vld [tilespmem:$0x1FED0]  }
0x139: {  	v58 =	vld [tilespmem:$0x1FEE0]  }
0x13a: {  	v40 =	vld.idx.msk [tilespmem:v40+s13+$0x0], $0xffff;
	_ =	sdelay $0x4  }
0x13b: {  	[tilespmem:$0x11CA0] =	vst v40  }
0x13c: {  	v40 =	vld.idx.msk [tilespmem:v57+s3+$0x0], $0xffff  }
0x13d: {  	v41 =	vld.idx.msk [tilespmem:v58+s3+$0x0], $0xffff;
	_ =	sdelay $0x3  }
0x13e: {  	v40 =	vshll.u32 v40, $0x5  }
0x13f: {  	v40 =	vadd.s32 v41, v40;
	_ =	sdelay $0x2  }
0x140: {  	v59 =	vld [tilespmem:$0x1FEF0]  }
0x141: {  	v60 =	vld [tilespmem:$0x1FF00]  }
0x142: {  	v40 =	vld.idx.msk [tilespmem:v40+s13+$0x0], $0xffff;
	_ =	sdelay $0x4  }
0x143: {  	[tilespmem:$0x11CB0] =	vst v40  }
0x144: {  	v40 =	vld.idx.msk [tilespmem:v59+s3+$0x0], $0xffff  }
0x145: {  	v41 =	vld.idx.msk [tilespmem:v60+s3+$0x0], $0xffff;
	_ =	sdelay $0x3  }
0x146: {  	v40 =	vshll.u32 v40, $0x5  }
0x147: {  	v40 =	vadd.s32 v41, v40;
	_ =	sdelay $0x2  }
0x148: {  	v63 =	vld [tilespmem:$0x1FF10]  }
0x149: {  	v44 =	vld [tilespmem:$0x1FF20]  }
0x14a: {  	v40 =	vld.idx.msk [tilespmem:v40+s13+$0x0], $0xffff;
	_ =	sdelay $0x4  }
0x14b: {  	[tilespmem:$0x11CC0] =	vst v40  }
0x14c: {  	v40 =	vld.idx.msk [tilespmem:v63+s3+$0x0], $0xffff  }
0x14d: {  	v41 =	vld.idx.msk [tilespmem:v44+s3+$0x0], $0xffff;
	_ =	sdelay $0x3  }
0x14e: {  	v40 =	vshll.u32 v40, $0x5  }
0x14f: {  	v40 =	vadd.s32 v41, v40;
	_ =	sdelay $0x2  }
0x150: {  	v45 =	vld [tilespmem:$0x1FF30]  }
0x151: {  	v46 =	vld [tilespmem:$0x1FF40]  }
0x152: {  	v40 =	vld.idx.msk [tilespmem:v40+s13+$0x0], $0xffff;
	_ =	sdelay $0x4  }
0x153: {  	[tilespmem:$0x11CD0] =	vst v40  }
0x154: {  	v40 =	vld.idx.msk [tilespmem:v45+s3+$0x0], $0xffff  }
0x155: {  	v41 =	vld.idx.msk [tilespmem:v46+s3+$0x0], $0xffff;
	_ =	sdelay $0x3  }
0x156: {  	v40 =	vshll.u32 v40, $0x5  }
0x157: {  	v40 =	vadd.s32 v41, v40;
	_ =	sdelay $0x2  }
0x158: {  	v47 =	vld [tilespmem:$0x1FF50]  }
0x159: {  	v48 =	vld [tilespmem:$0x1FF60]  }
0x15a: {  	v40 =	vld.idx.msk [tilespmem:v40+s13+$0x0], $0xffff;
	_ =	sdelay $0x4  }
0x15b: {  	[tilespmem:$0x11CE0] =	vst v40  }
0x15c: {  	v40 =	vld.idx.msk [tilespmem:v47+s3+$0x0], $0xffff  }
0x15d: {  	v41 =	vld.idx.msk [tilespmem:v48+s3+$0x0], $0xffff;
	_ =	sdelay $0x3  }
0x15e: {  	v40 =	vshll.u32 v40, $0x5  }
0x15f: {  	v40 =	vadd.s32 v41, v40;
	_ =	sdelay $0x2  }
0x160: {  	v49 =	vld [tilespmem:$0x1FF70]  }
0x161: {  	v50 =	vld [tilespmem:$0x1FF80]  }
0x162: {  	v40 =	vld.idx.msk [tilespmem:v40+s13+$0x0], $0xffff;
	_ =	sdelay $0x4  }
0x163: {  	[tilespmem:$0x11CF0] =	vst v40  }
0x164: {  	v40 =	vld.idx.msk [tilespmem:v49+s3+$0x0], $0xffff  }
0x165: {  	v41 =	vld.idx.msk [tilespmem:v50+s3+$0x0], $0xffff;
	_ =	sdelay $0x3  }
0x166: {  	v40 =	vshll.u32 v40, $0x5  }
0x167: {  	v40 =	vadd.s32 v41, v40;
	_ =	sdelay $0x2  }
0x168: {  	v51 =	vld [tilespmem:$0x1FF90]  }
0x169: {  	v52 =	vld [tilespmem:$0x1FFA0]  }
0x16a: {  	v40 =	vld.idx.msk [tilespmem:v40+s13+$0x0], $0xffff;
	_ =	sdelay $0x4  }
0x16b: {  	[tilespmem:$0x11D00] =	vst v40  }
0x16c: {  	v40 =	vld.idx.msk [tilespmem:v51+s3+$0x0], $0xffff  }
0x16d: {  	v41 =	vld.idx.msk [tilespmem:v52+s3+$0x0], $0xffff;
	_ =	sdelay $0x3  }
0x16e: {  	v40 =	vshll.u32 v40, $0x5  }
0x16f: {  	v40 =	vadd.s32 v41, v40;
	_ =	sdelay $0x2  }
0x170: {  	v53 =	vld [tilespmem:$0x1FFB0]  }
0x171: {  	v54 =	vld [tilespmem:$0x1FFC0]  }
0x172: {  	v40 =	vld.idx.msk [tilespmem:v40+s13+$0x0], $0xffff;
	_ =	sdelay $0x4  }
0x173: {  	[tilespmem:$0x11D10] =	vst v40  }
0x174: {  	v40 =	vld.idx.msk [tilespmem:v53+s3+$0x0], $0xffff  }
0x175: {  	v41 =	vld.idx.msk [tilespmem:v54+s3+$0x0], $0xffff;
	_ =	sdelay $0x3  }
0x176: {  	v40 =	vshll.u32 v40, $0x5  }
0x177: {  	v40 =	vadd.s32 v41, v40;
	_ =	sdelay $0x2  }
0x178: {  	v55 =	vld [tilespmem:$0x1FFD0]  }
0x179: {  	v56 =	vld [tilespmem:$0x1FFE0]  }
0x17a: {  	v40 =	vld.idx.msk [tilespmem:v40+s13+$0x0], $0xffff;
	_ =	sdelay $0x4  }
0x17b: {  	[tilespmem:$0x11D20] =	vst v40  }
0x17c: {  	v40 =	vld.idx.msk [tilespmem:v55+s3+$0x0], $0xffff  }
0x17d: {  	v41 =	vld.idx.msk [tilespmem:v56+s3+$0x0], $0xffff;
	_ =	sdelay $0x3  }
0x17e: {  	v40 =	vshll.u32 v40, $0x5  }
0x17f: {  	v40 =	vadd.s32 v41, v40;
	_ =	sdelay $0x2  }
0x180: {  	v57 =	vld [tilespmem:$0x1FFF0];
	_ =	sdelay $0x1  }
0x181: {  	v40 =	vld.idx.msk [tilespmem:v40+s13+$0x0], $0xffff;
	_ =	sdelay $0x4  }
0x182: {  	[tilespmem:$0x11D30] =	vst v40  }
0x183: {  	v40 =	vld.idx.msk [tilespmem:v57+s3+$0x0], $0xffff  }
0x184: {  	v58 =	vld.idx.msk [tilespmem:v61+s3+$0x0], $0xffff;
	_ =	sdelay $0x3  }
0x185: {  	v40 =	vshll.u32 v40, $0x5  }
0x186: {  	v40 =	vadd.s32 v58, v40;
	_ =	sdelay $0x4  }
0x187: {  	v40 =	vld.idx.msk [tilespmem:v40+s13+$0x0], $0xffff;
	_ =	sdelay $0x1  }
0x188: {  	v59 =	vor.u32 $0x6801, v17;
	_ =	sdelay $0x2  }
0x189: {  	[tilespmem:$0x11D40] =	vst v40  }
0x18a: {  	v40 =	vld.idx.msk [tilespmem:v62+s3+$0x0], $0xffff  }
0x18b: {  	v41 =	vld.idx.msk [tilespmem:v59+s3+$0x0], $0xffff;
	_ =	sdelay $0x3  }
0x18c: {  	v40 =	vshll.u32 v40, $0x5  }
0x18d: {  	v40 =	vadd.s32 v41, v40;
	_ =	sdelay $0x4  }
0x18e: {  	v40 =	vld.idx.msk [tilespmem:v40+s13+$0x0], $0xffff  }
0x18f: {  	v60 =	vor.u32 $0x7000, v17  }
0x190: {  	v63 =	vor.u32 $0x7001, v17;
	_ =	sdelay $0x2  }
0x191: {  	[tilespmem:$0x11D50] =	vst v40  }
0x192: {  	v40 =	vld.idx.msk [tilespmem:v60+s3+$0x0], $0xffff  }
0x193: {  	v44 =	vld.idx.msk [tilespmem:v63+s3+$0x0], $0xffff;
	_ =	sdelay $0x3  }
0x194: {  	v40 =	vshll.u32 v40, $0x5  }
0x195: {  	v40 =	vadd.s32 v44, v40;
	_ =	sdelay $0x4  }
0x196: {  	v40 =	vld.idx.msk [tilespmem:v40+s13+$0x0], $0xffff  }
0x197: {  	v45 =	vor.u32 $0x7800, v17  }
0x198: {  	v46 =	vor.u32 $0x7801, v17;
	_ =	sdelay $0x2  }
0x199: {  	[tilespmem:$0x11D60] =	vst v40  }
0x19a: {  	v40 =	vld.idx.msk [tilespmem:v45+s3+$0x0], $0xffff  }
0x19b: {  	v47 =	vld.idx.msk [tilespmem:v46+s3+$0x0], $0xffff;
	_ =	sdelay $0x3  }
0x19c: {  	v40 =	vshll.u32 v40, $0x5  }
0x19d: {  	v40 =	vadd.s32 v47, v40;
	_ =	sdelay $0x4  }
0x19e: {  	v40 =	vld.idx.msk [tilespmem:v40+s13+$0x0], $0xffff  }
0x19f: {  	v48 =	vor.u32 $0x8000, v17  }
0x1a0: {  	v49 =	vor.u32 $0x8001, v17;
	_ =	sdelay $0x2  }
0x1a1: {  	[tilespmem:$0x11D70] =	vst v40  }
0x1a2: {  	v40 =	vld.idx.msk [tilespmem:v48+s3+$0x0], $0xffff  }
0x1a3: {  	v50 =	vld.idx.msk [tilespmem:v49+s3+$0x0], $0xffff;
	_ =	sdelay $0x3  }
0x1a4: {  	v40 =	vshll.u32 v40, $0x5  }
0x1a5: {  	v40 =	vadd.s32 v50, v40;
	_ =	sdelay $0x4  }
0x1a6: {  	v40 =	vld.idx.msk [tilespmem:v40+s13+$0x0], $0xffff  }
0x1a7: {  	v51 =	vor.u32 $0x8800, v17  }
0x1a8: {  	v52 =	vor.u32 $0x8801, v17;
	_ =	sdelay $0x2  }
0x1a9: {  	[tilespmem:$0x11D80] =	vst v40  }
0x1aa: {  	v40 =	vld.idx.msk [tilespmem:v51+s3+$0x0], $0xffff  }
0x1ab: {  	v53 =	vld.idx.msk [tilespmem:v52+s3+$0x0], $0xffff;
	_ =	sdelay $0x3  }
0x1ac: {  	v40 =	vshll.u32 v40, $0x5  }
0x1ad: {  	v40 =	vadd.s32 v53, v40;
	_ =	sdelay $0x4  }
0x1ae: {  	v40 =	vld.idx.msk [tilespmem:v40+s13+$0x0], $0xffff  }
0x1af: {  	v54 =	vor.u32 $0x9000, v17  }
0x1b0: {  	v55 =	vor.u32 $0x9001, v17;
	_ =	sdelay $0x2  }
0x1b1: {  	[tilespmem:$0x11D90] =	vst v40  }
0x1b2: {  	v40 =	vld.idx.msk [tilespmem:v54+s3+$0x0], $0xffff  }
0x1b3: {  	v56 =	vld.idx.msk [tilespmem:v55+s3+$0x0], $0xffff;
	_ =	sdelay $0x3  }
0x1b4: {  	v40 =	vshll.u32 v40, $0x5  }
0x1b5: {  	v40 =	vadd.s32 v56, v40;
	_ =	sdelay $0x4  }
0x1b6: {  	v40 =	vld.idx.msk [tilespmem:v40+s13+$0x0], $0xffff  }
0x1b7: {  	v57 =	vor.u32 $0x9800, v17  }
0x1b8: {  	v58 =	vor.u32 $0x9801, v17;
	_ =	sdelay $0x2  }
0x1b9: {  	[tilespmem:$0x11DA0] =	vst v40  }
0x1ba: {  	v40 =	vld.idx.msk [tilespmem:v57+s3+$0x0], $0xffff  }
0x1bb: {  	v59 =	vld.idx.msk [tilespmem:v58+s3+$0x0], $0xffff;
	_ =	sdelay $0x3  }
0x1bc: {  	v40 =	vshll.u32 v40, $0x5  }
0x1bd: {  	v40 =	vadd.s32 v59, v40;
	_ =	sdelay $0x4  }
0x1be: {  	v40 =	vld.idx.msk [tilespmem:v40+s13+$0x0], $0xffff  }
0x1bf: {  	v60 =	vor.u32 $0xA000, v17  }
0x1c0: {  	v63 =	vor.u32 $0xA001, v17;
	_ =	sdelay $0x2  }
0x1c1: {  	[tilespmem:$0x11DB0] =	vst v40  }
0x1c2: {  	v40 =	vld.idx.msk [tilespmem:v60+s3+$0x0], $0xffff  }
0x1c3: {  	v45 =	vld.idx.msk [tilespmem:v63+s3+$0x0], $0xffff;
	_ =	sdelay $0x3  }
0x1c4: {  	v40 =	vshll.u32 v40, $0x5  }
0x1c5: {  	v40 =	vadd.s32 v45, v40;
	_ =	sdelay $0x4  }
0x1c6: {  	v40 =	vld.idx.msk [tilespmem:v40+s13+$0x0], $0xffff  }
0x1c7: {  	v46 =	vor.u32 $0xA800, v17  }
0x1c8: {  	v47 =	vor.u32 $0xA801, v17;
	_ =	sdelay $0x2  }
0x1c9: {  	[tilespmem:$0x11DC0] =	vst v40  }
0x1ca: {  	v40 =	vld.idx.msk [tilespmem:v46+s3+$0x0], $0xffff  }
0x1cb: {  	v48 =	vld.idx.msk [tilespmem:v47+s3+$0x0], $0xffff;
	_ =	sdelay $0x3  }
0x1cc: {  	v40 =	vshll.u32 v40, $0x5  }
0x1cd: {  	v40 =	vadd.s32 v48, v40;
	_ =	sdelay $0x4  }
0x1ce: {  	v40 =	vld.idx.msk [tilespmem:v40+s13+$0x0], $0xffff  }
0x1cf: {  	v49 =	vor.u32 $0xB000, v17  }
0x1d0: {  	v50 =	vor.u32 $0xB001, v17;
	_ =	sdelay $0x2  }
0x1d1: {  	[tilespmem:$0x11DD0] =	vst v40  }
0x1d2: {  	v40 =	vld.idx.msk [tilespmem:v49+s3+$0x0], $0xffff  }
0x1d3: {  	v51 =	vld.idx.msk [tilespmem:v50+s3+$0x0], $0xffff;
	_ =	sdelay $0x3  }
0x1d4: {  	v40 =	vshll.u32 v40, $0x5  }
0x1d5: {  	v40 =	vadd.s32 v51, v40;
	_ =	sdelay $0x4  }
0x1d6: {  	v40 =	vld.idx.msk [tilespmem:v40+s13+$0x0], $0xffff  }
0x1d7: {  	v52 =	vor.u32 $0xB800, v17  }
0x1d8: {  	v53 =	vor.u32 $0xB801, v17;
	_ =	sdelay $0x2  }
0x1d9: {  	[tilespmem:$0x11DE0] =	vst v40  }
0x1da: {  	v40 =	vld.idx.msk [tilespmem:v52+s3+$0x0], $0xffff  }
0x1db: {  	v54 =	vld.idx.msk [tilespmem:v53+s3+$0x0], $0xffff;
	_ =	sdelay $0x3  }
0x1dc: {  	v40 =	vshll.u32 v40, $0x5  }
0x1dd: {  	v40 =	vadd.s32 v54, v40;
	_ =	sdelay $0x4  }
0x1de: {  	v40 =	vld.idx.msk [tilespmem:v40+s13+$0x0], $0xffff  }
0x1df: {  	v55 =	vor.u32 $0xC000, v17  }
0x1e0: {  	v56 =	vor.u32 $0xC001, v17;
	_ =	sdelay $0x2  }
0x1e1: {  	[tilespmem:$0x11DF0] =	vst v40  }
0x1e2: {  	v40 =	vld.idx.msk [tilespmem:v55+s3+$0x0], $0xffff  }
0x1e3: {  	v57 =	vld.idx.msk [tilespmem:v56+s3+$0x0], $0xffff;
	_ =	sdelay $0x3  }
0x1e4: {  	v40 =	vshll.u32 v40, $0x5  }
0x1e5: {  	v40 =	vadd.s32 v57, v40;
	_ =	sdelay $0x4  }
0x1e6: {  	v40 =	vld.idx.msk [tilespmem:v40+s13+$0x0], $0xffff  }
0x1e7: {  	v58 =	vor.u32 $0xC800, v17  }
0x1e8: {  	v59 =	vor.u32 $0xC801, v17;
	_ =	sdelay $0x2  }
0x1e9: {  	[tilespmem:$0x11E00] =	vst v40  }
0x1ea: {  	v40 =	vld.idx.msk [tilespmem:v58+s3+$0x0], $0xffff  }
0x1eb: {  	v60 =	vld.idx.msk [tilespmem:v59+s3+$0x0], $0xffff;
	_ =	sdelay $0x3  }
0x1ec: {  	v40 =	vshll.u32 v40, $0x5  }
0x1ed: {  	v40 =	vadd.s32 v60, v40;
	_ =	sdelay $0x4  }
0x1ee: {  	v40 =	vld.idx.msk [tilespmem:v40+s13+$0x0], $0xffff  }
0x1ef: {  	v63 =	vor.u32 $0xD000, v17  }
0x1f0: {  	v45 =	vor.u32 $0xD001, v17;
	_ =	sdelay $0x2  }
0x1f1: {  	[tilespmem:$0x11E10] =	vst v40  }
0x1f2: {  	v40 =	vld.idx.msk [tilespmem:v63+s3+$0x0], $0xffff  }
0x1f3: {  	v46 =	vld.idx.msk [tilespmem:v45+s3+$0x0], $0xffff;
	_ =	sdelay $0x3  }
0x1f4: {  	v40 =	vshll.u32 v40, $0x5  }
0x1f5: {  	v40 =	vadd.s32 v46, v40;
	_ =	sdelay $0x4  }
0x1f6: {  	v40 =	vld.idx.msk [tilespmem:v40+s13+$0x0], $0xffff  }
0x1f7: {  	v47 =	vor.u32 $0xD800, v17  }
0x1f8: {  	v48 =	vor.u32 $0xD801, v17;
	_ =	sdelay $0x2  }
0x1f9: {  	[tilespmem:$0x11E20] =	vst v40  }
0x1fa: {  	v40 =	vld.idx.msk [tilespmem:v47+s3+$0x0], $0xffff  }
0x1fb: {  	v49 =	vld.idx.msk [tilespmem:v48+s3+$0x0], $0xffff;
	_ =	sdelay $0x3  }
0x1fc: {  	v40 =	vshll.u32 v40, $0x5  }
0x1fd: {  	v40 =	vadd.s32 v49, v40;
	_ =	sdelay $0x4  }
0x1fe: {  	v40 =	vld.idx.msk [tilespmem:v40+s13+$0x0], $0xffff  }
0x1ff: {  	v50 =	vor.u32 $0xE000, v17  }
0x200: {  	v51 =	vor.u32 $0xE001, v17;
	_ =	sdelay $0x2  }
0x201: {  	[tilespmem:$0x11E30] =	vst v40  }
0x202: {  	v40 =	vld.idx.msk [tilespmem:v50+s3+$0x0], $0xffff  }
0x203: {  	v52 =	vld.idx.msk [tilespmem:v51+s3+$0x0], $0xffff;
	_ =	sdelay $0x3  }
0x204: {  	v40 =	vshll.u32 v40, $0x5  }
0x205: {  	v40 =	vadd.s32 v52, v40;
	_ =	sdelay $0x4  }
0x206: {  	v40 =	vld.idx.msk [tilespmem:v40+s13+$0x0], $0xffff  }
0x207: {  	v53 =	vor.u32 $0xE800, v17  }
0x208: {  	v54 =	vor.u32 $0xE801, v17;
	_ =	sdelay $0x2  }
0x209: {  	[tilespmem:$0x11E40] =	vst v40  }
0x20a: {  	v40 =	vld.idx.msk [tilespmem:v53+s3+$0x0], $0xffff  }
0x20b: {  	v55 =	vld.idx.msk [tilespmem:v54+s3+$0x0], $0xffff;
	_ =	sdelay $0x3  }
0x20c: {  	v40 =	vshll.u32 v40, $0x5  }
0x20d: {  	v40 =	vadd.s32 v55, v40;
	_ =	sdelay $0x4  }
0x20e: {  	v40 =	vld.idx.msk [tilespmem:v40+s13+$0x0], $0xffff  }
0x20f: {  	v56 =	vor.u32 $0xF000, v17  }
0x210: {  	v57 =	vor.u32 $0xF001, v17;
	_ =	sdelay $0x2  }
0x211: {  	[tilespmem:$0x11E50] =	vst v40  }
0x212: {  	v40 =	vld.idx.msk [tilespmem:v56+s3+$0x0], $0xffff  }
0x213: {  	v58 =	vld.idx.msk [tilespmem:v57+s3+$0x0], $0xffff;
	_ =	sdelay $0x3  }
0x214: {  	v40 =	vshll.u32 v40, $0x5  }
0x215: {  	v40 =	vadd.s32 v58, v40;
	_ =	sdelay $0x4  }
0x216: {  	v40 =	vld.idx.msk [tilespmem:v40+s13+$0x0], $0xffff  }
0x217: {  	v59 =	vor.u32 $0xF800, v17  }
0x218: {  	v60 =	vor.u32 $0xF801, v17;
	_ =	sdelay $0x2  }
0x219: {  	[tilespmem:$0x11E60] =	vst v40  }
0x21a: {  	v40 =	vld.idx.msk [tilespmem:v59+s3+$0x0], $0xffff  }
0x21b: {  	v63 =	vld.idx.msk [tilespmem:v60+s3+$0x0], $0xffff;
	_ =	sdelay $0x3  }
0x21c: {  	v40 =	vshll.u32 v40, $0x5  }
0x21d: {  	v40 =	vadd.s32 v63, v40;
	_ =	sdelay $0x4  }
0x21e: {  	v40 =	vld.idx.msk [tilespmem:v40+s13+$0x0], $0xffff;
	_ =	sdelay $0x3  }
0x21f: {  	p0 =	sne.s32 s8, $0x1  }
.Ltmp0:
0x220: {  	[tilespmem:$0x11E70] =	vst v40;
	(pc) =	sbr.rel @p0 .LBB2_1-.Ltmp0, $4  }
0x221: {  	[hbm4b:s7+s3] =	stream.linear.scatter [tilespmem:s15], [sflag:$0x3], $0x200, $0x38;
	[tilespmem:$0x11EC0] =	vst v63  }
0x222: {  	_ =	swait.ge [sflag:s12], $0x200  }
0x223: {  	[sflag:s12] =	ssyncset.done $0x0  }
0x224: {  	s8 =	sadd.s32 $0xFFFFFFFF, s8;
	[sflag:s12] =	ssyncadd.s32 $0xFFFFFE00  }
0x225: {  	_ =	sfence.sel $0x180000  }
0x226: {  	[bflag:$0x0] =	sbarrier.arrive $0xFFFF  }
0x227: {  	p0 =	sne.s32 s0, $0x0;
	_ =	strace $0x90000047  }
0x228: {  	s0 =	sadd.s32 @!p0 $0x100000, s1;
	[bflag:$0x2] =	sbarrier.arrive $0xFFFF  }
0x229: {  	[sflag:s0] =	ssyncadd.tile.s32 @!p0 $0x1;
	_ =	shalt  }
.Lfunc_end2:
_tile_overlayer_lowered:
.L_overlay_start_2:
0x22a: {  	(tag) =	ssettag $0x2  }
0x22b: {  	s0 =	rddreg [dreg:$0x0];
	s2 =	stileid.u32  }
0x22c: {  	s1 =	rddreg [dreg:$0x1];
	p0 =	sne.s32 s2, $0x0  }
0x22d: {  	s3 =	rddreg [dreg:$0x2];
	[bflag:$0x3] =	sbarrier.arrive $0xFFFF;
	s2 =	simm.s32 @!p0 $0x1C03  }
0x22e: {  	[timem:s3], [sflag:s2] =	dma.local @!p0 [hbm:s0], s1  }
0x22f: {  	s0 =	simm.s32 @!p0 $0x3  }
0x230: {  	_ =	swait.ge @!p0 [sflag:s0], s1  }
0x231: {  	s1 =	ssub.s32 @!p0 $0x0, s1;
	[sflag:s0] =	ssyncset.done @!p0 $0x0  }
0x232: {  	[sflag:s0] =	ssyncadd.s32 @!p0 s1  }
0x233: {  	[bflag:$0x3] =	sbarrier.arrive $0xFFFF  }
0x234: {  	_ =	shalt  }

</sc_bundles>
